<compile_context>
chip_gen: v7x
topology: tpu7x:2x2x1
jax: 0.10.2.dev20260603
libtpu: 0.0.44.dev20260713+nightly
codegen_flags: <defaults>
</compile_context>

<pallas_src>
import functools

import jax
import jax.numpy as jnp
from jax import lax
from jax.experimental import pallas as pl
from jax.experimental.pallas import tpu as pltpu
from jax.experimental.pallas import tpu_sc as plsc

E = 128
S = 200
B = 4096
C0 = 104
C1 = S - C0
L = 16
NC = 2
NS = 16
NW = NC * NS
BPW = B // NW
NFULL = S // L
TAIL = S - NFULL * L
NBUF = 3


def _tile_body(tok_hbm, table_hbm, out_hbm, tokt_v, idx_v, rows0, rows1,
               rows2, gsem0, gsem1, gsem2, osem0, osem1, osem2):
    wid = lax.axis_index("s") * NC + lax.axis_index("c")
    base = wid * BPW

    lane = lax.iota(jnp.int32, L)
    tail_mask = lane < TAIL
    tail_rows = jnp.minimum(lane + NFULL * L, S - 1)

    pltpu.sync_copy(tok_hbm.at[:, pl.ds(base, BPW)], tokt_v)

    @plsc.parallel_loop(0, BPW, unroll=2)
    def _r_loop(r):
        col = jnp.broadcast_to(r, (L,))
        for k in range(NFULL):
            v = plsc.load_gather(tokt_v, [lane + k * L, col])
            idx_v[r, pl.ds(k * L, L)] = v
        v = plsc.load_gather(tokt_v, [tail_rows, col])
        plsc.store_scatter(idx_v, [col, lane + NFULL * L], v, mask=tail_mask)

    bufs = (rows0, rows1, rows2)
    gsems = (gsem0, gsem1, gsem2)
    osems = (osem0, osem1, osem2)

    def gather(b, j):
        return (
            pltpu.make_async_copy(
                table_hbm.at[idx_v.at[b, pl.ds(0, C0)]],
                bufs[j].at[pl.ds(0, C0)], gsems[j]),
            pltpu.make_async_copy(
                table_hbm.at[idx_v.at[b, pl.ds(C0, C1)]],
                bufs[j].at[pl.ds(C0, C1)], gsems[j]),
        )

    def outcopy(b, j):
        return pltpu.make_async_copy(bufs[j], out_hbm.at[base + b], osems[j])

    def slot(bb, h):
        for c in gather(bb, h):
            c.wait()
        outcopy(bb, h).start()
        j2 = (h + 2) % NBUF

        @pl.when(bb + 2 < BPW)
        def _():
            @pl.when(bb >= 1)
            def _():
                outcopy(bb - 1, j2).wait()

            for c in gather(bb + 2, j2):
                c.start()

    for c in gather(0, 0) + gather(1, 1):
        c.start()

    @pl.loop(0, BPW - 2, step=NBUF)
    def _b_loop(b):
        for h in range(NBUF):
            slot(b + h, h)

    slot(BPW - 2, 0)
    slot(BPW - 1, 1)

    outcopy(BPW - 3, 2).wait()
    outcopy(BPW - 2, 0).wait()
    outcopy(BPW - 1, 1).wait()


@functools.partial(
    pl.kernel,
    out_type=jax.ShapeDtypeStruct((B, S, E), jnp.float32),
    mesh=plsc.VectorSubcoreMesh(core_axis_name="c", subcore_axis_name="s"),
    compiler_params=pltpu.CompilerParams(use_tc_tiling_on_sc=False,
                                         needs_layout_passes=False),
    scratch_types=[
        pltpu.VMEM((S, BPW), jnp.int32),
        pltpu.VMEM((BPW, S), jnp.int32),
        pltpu.VMEM((S, E), jnp.float32),
        pltpu.VMEM((S, E), jnp.float32),
        pltpu.VMEM((S, E), jnp.float32),
        pltpu.SemaphoreType.DMA,
        pltpu.SemaphoreType.DMA,
        pltpu.SemaphoreType.DMA,
        pltpu.SemaphoreType.DMA,
        pltpu.SemaphoreType.DMA,
        pltpu.SemaphoreType.DMA,
    ],
)
def _bow_encode(tok_hbm, table_hbm, out_hbm, tokt_v, idx_v, rows0, rows1,
                rows2, gsem0, gsem1, gsem2, osem0, osem1, osem2):
    _tile_body(tok_hbm, table_hbm, out_hbm, tokt_v, idx_v, rows0, rows1,
               rows2, gsem0, gsem1, gsem2, osem0, osem1, osem2)


def kernel(tokens, table):
    out = _bow_encode(tokens.astype(jnp.int32), table)
    return jnp.swapaxes(out, 1, 2)

# --- scband reference (transcript-rebuilt; emitter-appended) ---
"""Pipeline reference for scband-bag-of-words-encoder-31671088841257 (READ-ONLY COPY).

The authoritative reference and input builder live on the scoring server;
editing this copy changes nothing except your own understanding.
"""

import jax, jax.numpy as jnp
import numpy as np

VOCAB = 100000
EMBED_DIM = 128
SEQ_LEN = 200
BATCH = 4096

def setup_inputs(seed: int = 0) -> dict:
    key = jax.random.key(seed)
    k1, k2 = jax.random.split(key)
    tokens = jax.random.randint(k1, (SEQ_LEN, BATCH), 0, VOCAB, dtype=jnp.int64 if jax.config.jax_enable_x64 else jnp.int32)
    table = jax.random.normal(k2, (VOCAB, EMBED_DIM), dtype=jnp.float32)
    return {"tokens": tokens, "table": table}

def reference(tokens, table):
    # nn.Embedding lookup: [S, B] -> [S, B, E]
    embedded = jnp.take(table, tokens, axis=0)
    # dropout is identity at inference time
    # permute(1, 2, 0): [S, B, E] -> [B, E, S]
    return jnp.transpose(embedded, (1, 2, 0))

if __name__ == "__main__":
    import jax
    _d = setup_inputs()
    print(jax.jit(kernel)(*tuple(_d.values())))

</pallas_src>

<mosaic_0001>
#map = affine_map<(d0, d1) -> (0, 0)>
#map1 = affine_map<(d0, d1) -> (0, 0, 0)>
module attributes {stable_mosaic.version = 14 : i64} {
  func.func @_bow_encode(%arg0: i32, %arg1: i32, %arg2: memref<200x4096xi32, #tpu.memory_space<hbm>>, %arg3: memref<100000x128xf32, #tpu.memory_space<hbm>>, %arg4: memref<4096x200x128xf32, #tpu.memory_space<hbm>>, %arg5: memref<200x128xi32, #tpu.memory_space<vmem>>, %arg6: memref<128x200xi32, #tpu.memory_space<vmem>>, %arg7: memref<200x128xf32, #tpu.memory_space<vmem>>, %arg8: memref<200x128xf32, #tpu.memory_space<vmem>>, %arg9: memref<200x128xf32, #tpu.memory_space<vmem>>, %arg10: memref<!tpu.dma_semaphore, #tpu.memory_space<semaphore_mem>>, %arg11: memref<!tpu.dma_semaphore, #tpu.memory_space<semaphore_mem>>, %arg12: memref<!tpu.dma_semaphore, #tpu.memory_space<semaphore_mem>>, %arg13: memref<!tpu.dma_semaphore, #tpu.memory_space<semaphore_mem>>, %arg14: memref<!tpu.dma_semaphore, #tpu.memory_space<semaphore_mem>>, %arg15: memref<!tpu.dma_semaphore, #tpu.memory_space<semaphore_mem>>) attributes {dimension_semantics = [#tpu.dimension_semantics<core_parallel>, #tpu.dimension_semantics<subcore_parallel>], iteration_bounds = array<i64: 2, 16>, scalar_prefetch = 0 : i64, scratch_operands = 11 : i64, tpu.core_type = #tpu.core_type<sc_vector_subcore>, window_params = [{transform_indices = #map}, {transform_indices = #map}, {transform_indices = #map1}]} {
    %mul3A = arith.constant 2 : i32
    %mul3A_0 = arith.muli %arg1, %mul3A : i32
    %add3A = arith.addi %mul3A_0, %arg0 : i32
    %mul3A_1 = arith.constant 128 : i32
    %mul3A_2 = arith.muli %add3A, %mul3A_1 : i32
    %iota3A = tpu.iota {dimensions = array<i32: 0>} : vector<16xi32>
    %lt3A = arith.constant 8 : i32
    %lt3A_3 = vector.broadcast %lt3A : i32 to vector<16xi32>
    %lt3A_4 = arith.cmpi slt, %iota3A, %lt3A_3 : vector<16xi32>
    %add3A_5 = arith.constant 192 : i32
    %add3A_6 = vector.broadcast %add3A_5 : i32 to vector<16xi32>
    %add3A_7 = arith.addi %iota3A, %add3A_6 : vector<16xi32>
    %min3A = arith.constant 199 : i32
    %min3A_8 = vector.broadcast %min3A : i32 to vector<16xi32>
    %min3A_9 = arith.minsi %add3A_7, %min3A_8 : vector<16xi32>
    "tpu.region"() ({
      %run_scoped3A = tpu.sem_alloc : memref<!tpu.dma_semaphore, #tpu.memory_space<semaphore_mem>>
      %dma_start3A_144 = arith.constant 0 : i32
      %dma_start3A_145 = tpu.memref_slice %arg2[%dma_start3A_144, %mul3A_2] : memref<200x4096xi32, #tpu.memory_space<hbm>> -> memref<200x128xi32, #tpu.memory_space<hbm>>
      %dma_start3A_146 = arith.constant 0 : i32
      %dma_start3A_147 = tpu.memref_slice %arg2[%dma_start3A_146, %mul3A_2] : memref<200x4096xi32, #tpu.memory_space<hbm>> -> memref<200x128xi32, #tpu.memory_space<hbm>>
      tpu.enqueue_dma source(%dma_start3A_147 : memref<200x128xi32, #tpu.memory_space<hbm>>) target(%arg5 : memref<200x128xi32, #tpu.memory_space<vmem>>) target_semaphore(%run_scoped3A : memref<!tpu.dma_semaphore, #tpu.memory_space<semaphore_mem>>)
      %dma_wait3A_148 = arith.constant 0 : i32
      %dma_wait3A_149 = tpu.memref_slice %arg2[%dma_wait3A_148, %mul3A_2] : memref<200x4096xi32, #tpu.memory_space<hbm>> -> memref<200x128xi32, #tpu.memory_space<hbm>>
      %dma_wait3A_150 = arith.constant 0 : i32
      %dma_wait3A_151 = tpu.memref_slice %arg2[%dma_wait3A_150, %mul3A_2] : memref<200x4096xi32, #tpu.memory_space<hbm>> -> memref<200x128xi32, #tpu.memory_space<hbm>>
      tpu.wait_dma2 semaphore(%run_scoped3A : memref<!tpu.dma_semaphore, #tpu.memory_space<semaphore_mem>>) src(%dma_wait3A_151 : memref<200x128xi32, #tpu.memory_space<hbm>>) dst(%arg5 : memref<200x128xi32, #tpu.memory_space<vmem>>)
      tpu.yield
    }) : () -> ()
    %parallel_loop3A = arith.constant 0 : i32
    %parallel_loop3A_10 = arith.constant 128 : i32
    %parallel_loop3A_11 = arith.constant 1 : i32
    scf.for %parallel_loop3A_144 = %parallel_loop3A to %parallel_loop3A_10 step %parallel_loop3A_11  : i32 {
      %parallel_loop3A_145 = vector.broadcast %parallel_loop3A_144 : i32 to vector<16xi32>
      %parallel_loop3A_146 = arith.constant 0 : i32
      %parallel_loop3A_147 = vector.broadcast %parallel_loop3A_146 : i32 to vector<16xi32>
      %parallel_loop3A_148 = arith.addi %iota3A, %parallel_loop3A_147 : vector<16xi32>
      %parallel_loop3A_149 = tpu.vector_load_idx %arg5[%parallel_loop3A_148, %parallel_loop3A_145] : memref<200x128xi32, #tpu.memory_space<vmem>>[vector<16xi32>, vector<16xi32>], vector<16xi32>,
      %parallel_loop3A_150 = arith.index_cast %parallel_loop3A_144 : i32 to index
      %parallel_loop3A_151 = arith.constant 0 : index
      %parallel_loop3A_152 = tpu.vector_load %arg6[%parallel_loop3A_150, %parallel_loop3A_151] {strides = array<i32>} : memref<128x200xi32, #tpu.memory_space<vmem>>, vector<16xi32>,
      tpu.vector_store %arg6[%parallel_loop3A_150, %parallel_loop3A_151], %parallel_loop3A_149 {strides = array<i32>} : memref<128x200xi32, #tpu.memory_space<vmem>>, vector<16xi32>,
      %parallel_loop3A_153 = arith.constant 16 : i32
      %parallel_loop3A_154 = vector.broadcast %parallel_loop3A_153 : i32 to vector<16xi32>
      %parallel_loop3A_155 = arith.addi %iota3A, %parallel_loop3A_154 : vector<16xi32>
      %parallel_loop3A_156 = tpu.vector_load_idx %arg5[%parallel_loop3A_155, %parallel_loop3A_145] : memref<200x128xi32, #tpu.memory_space<vmem>>[vector<16xi32>, vector<16xi32>], vector<16xi32>,
      %parallel_loop3A_157 = arith.index_cast %parallel_loop3A_144 : i32 to index
      %parallel_loop3A_158 = arith.constant 16 : index
      %parallel_loop3A_159 = tpu.vector_load %arg6[%parallel_loop3A_157, %parallel_loop3A_158] {strides = array<i32>} : memref<128x200xi32, #tpu.memory_space<vmem>>, vector<16xi32>,
      tpu.vector_store %arg6[%parallel_loop3A_157, %parallel_loop3A_158], %parallel_loop3A_156 {strides = array<i32>} : memref<128x200xi32, #tpu.memory_space<vmem>>, vector<16xi32>,
      %parallel_loop3A_160 = arith.constant 32 : i32
      %parallel_loop3A_161 = vector.broadcast %parallel_loop3A_160 : i32 to vector<16xi32>
      %parallel_loop3A_162 = arith.addi %iota3A, %parallel_loop3A_161 : vector<16xi32>
      %parallel_loop3A_163 = tpu.vector_load_idx %arg5[%parallel_loop3A_162, %parallel_loop3A_145] : memref<200x128xi32, #tpu.memory_space<vmem>>[vector<16xi32>, vector<16xi32>], vector<16xi32>,
      %parallel_loop3A_164 = arith.index_cast %parallel_loop3A_144 : i32 to index
      %parallel_loop3A_165 = arith.constant 32 : index
      %parallel_loop3A_166 = tpu.vector_load %arg6[%parallel_loop3A_164, %parallel_loop3A_165] {strides = array<i32>} : memref<128x200xi32, #tpu.memory_space<vmem>>, vector<16xi32>,
      tpu.vector_store %arg6[%parallel_loop3A_164, %parallel_loop3A_165], %parallel_loop3A_163 {strides = array<i32>} : memref<128x200xi32, #tpu.memory_space<vmem>>, vector<16xi32>,
      %parallel_loop3A_167 = arith.constant 48 : i32
      %parallel_loop3A_168 = vector.broadcast %parallel_loop3A_167 : i32 to vector<16xi32>
      %parallel_loop3A_169 = arith.addi %iota3A, %parallel_loop3A_168 : vector<16xi32>
      %parallel_loop3A_170 = tpu.vector_load_idx %arg5[%parallel_loop3A_169, %parallel_loop3A_145] : memref<200x128xi32, #tpu.memory_space<vmem>>[vector<16xi32>, vector<16xi32>], vector<16xi32>,
      %parallel_loop3A_171 = arith.index_cast %parallel_loop3A_144 : i32 to index
      %parallel_loop3A_172 = arith.constant 48 : index
      %parallel_loop3A_173 = tpu.vector_load %arg6[%parallel_loop3A_171, %parallel_loop3A_172] {strides = array<i32>} : memref<128x200xi32, #tpu.memory_space<vmem>>, vector<16xi32>,
      tpu.vector_store %arg6[%parallel_loop3A_171, %parallel_loop3A_172], %parallel_loop3A_170 {strides = array<i32>} : memref<128x200xi32, #tpu.memory_space<vmem>>, vector<16xi32>,
      %parallel_loop3A_174 = arith.constant 64 : i32
      %parallel_loop3A_175 = vector.broadcast %parallel_loop3A_174 : i32 to vector<16xi32>
      %parallel_loop3A_176 = arith.addi %iota3A, %parallel_loop3A_175 : vector<16xi32>
      %parallel_loop3A_177 = tpu.vector_load_idx %arg5[%parallel_loop3A_176, %parallel_loop3A_145] : memref<200x128xi32, #tpu.memory_space<vmem>>[vector<16xi32>, vector<16xi32>], vector<16xi32>,
      %parallel_loop3A_178 = arith.index_cast %parallel_loop3A_144 : i32 to index
      %parallel_loop3A_179 = arith.constant 64 : index
      %parallel_loop3A_180 = tpu.vector_load %arg6[%parallel_loop3A_178, %parallel_loop3A_179] {strides = array<i32>} : memref<128x200xi32, #tpu.memory_space<vmem>>, vector<16xi32>,
      tpu.vector_store %arg6[%parallel_loop3A_178, %parallel_loop3A_179], %parallel_loop3A_177 {strides = array<i32>} : memref<128x200xi32, #tpu.memory_space<vmem>>, vector<16xi32>,
      %parallel_loop3A_181 = arith.constant 80 : i32
      %parallel_loop3A_182 = vector.broadcast %parallel_loop3A_181 : i32 to vector<16xi32>
      %parallel_loop3A_183 = arith.addi %iota3A, %parallel_loop3A_182 : vector<16xi32>
      %parallel_loop3A_184 = tpu.vector_load_idx %arg5[%parallel_loop3A_183, %parallel_loop3A_145] : memref<200x128xi32, #tpu.memory_space<vmem>>[vector<16xi32>, vector<16xi32>], vector<16xi32>,
      %parallel_loop3A_185 = arith.index_cast %parallel_loop3A_144 : i32 to index
      %parallel_loop3A_186 = arith.constant 80 : index
      %parallel_loop3A_187 = tpu.vector_load %arg6[%parallel_loop3A_185, %parallel_loop3A_186] {strides = array<i32>} : memref<128x200xi32, #tpu.memory_space<vmem>>, vector<16xi32>,
      tpu.vector_store %arg6[%parallel_loop3A_185, %parallel_loop3A_186], %parallel_loop3A_184 {strides = array<i32>} : memref<128x200xi32, #tpu.memory_space<vmem>>, vector<16xi32>,
      %parallel_loop3A_188 = arith.constant 96 : i32
      %parallel_loop3A_189 = vector.broadcast %parallel_loop3A_188 : i32 to vector<16xi32>
      %parallel_loop3A_190 = arith.addi %iota3A, %parallel_loop3A_189 : vector<16xi32>
      %parallel_loop3A_191 = tpu.vector_load_idx %arg5[%parallel_loop3A_190, %parallel_loop3A_145] : memref<200x128xi32, #tpu.memory_space<vmem>>[vector<16xi32>, vector<16xi32>], vector<16xi32>,
      %parallel_loop3A_192 = arith.index_cast %parallel_loop3A_144 : i32 to index
      %parallel_loop3A_193 = arith.constant 96 : index
      %parallel_loop3A_194 = tpu.vector_load %arg6[%parallel_loop3A_192, %parallel_loop3A_193] {strides = array<i32>} : memref<128x200xi32, #tpu.memory_space<vmem>>, vector<16xi32>,
      tpu.vector_store %arg6[%parallel_loop3A_192, %parallel_loop3A_193], %parallel_loop3A_191 {strides = array<i32>} : memref<128x200xi32, #tpu.memory_space<vmem>>, vector<16xi32>,
      %parallel_loop3A_195 = arith.constant 112 : i32
      %parallel_loop3A_196 = vector.broadcast %parallel_loop3A_195 : i32 to vector<16xi32>
      %parallel_loop3A_197 = arith.addi %iota3A, %parallel_loop3A_196 : vector<16xi32>
      %parallel_loop3A_198 = tpu.vector_load_idx %arg5[%parallel_loop3A_197, %parallel_loop3A_145] : memref<200x128xi32, #tpu.memory_space<vmem>>[vector<16xi32>, vector<16xi32>], vector<16xi32>,
      %parallel_loop3A_199 = arith.index_cast %parallel_loop3A_144 : i32 to index
      %parallel_loop3A_200 = arith.constant 112 : index
      %parallel_loop3A_201 = tpu.vector_load %arg6[%parallel_loop3A_199, %parallel_loop3A_200] {strides = array<i32>} : memref<128x200xi32, #tpu.memory_space<vmem>>, vector<16xi32>,
      tpu.vector_store %arg6[%parallel_loop3A_199, %parallel_loop3A_200], %parallel_loop3A_198 {strides = array<i32>} : memref<128x200xi32, #tpu.memory_space<vmem>>, vector<16xi32>,
      %parallel_loop3A_202 = arith.constant 128 : i32
      %parallel_loop3A_203 = vector.broadcast %parallel_loop3A_202 : i32 to vector<16xi32>
      %parallel_loop3A_204 = arith.addi %iota3A, %parallel_loop3A_203 : vector<16xi32>
      %parallel_loop3A_205 = tpu.vector_load_idx %arg5[%parallel_loop3A_204, %parallel_loop3A_145] : memref<200x128xi32, #tpu.memory_space<vmem>>[vector<16xi32>, vector<16xi32>], vector<16xi32>,
      %parallel_loop3A_206 = arith.index_cast %parallel_loop3A_144 : i32 to index
      %parallel_loop3A_207 = arith.constant 128 : index
      %parallel_loop3A_208 = tpu.vector_load %arg6[%parallel_loop3A_206, %parallel_loop3A_207] {strides = array<i32>} : memref<128x200xi32, #tpu.memory_space<vmem>>, vector<16xi32>,
      tpu.vector_store %arg6[%parallel_loop3A_206, %parallel_loop3A_207], %parallel_loop3A_205 {strides = array<i32>} : memref<128x200xi32, #tpu.memory_space<vmem>>, vector<16xi32>,
      %parallel_loop3A_209 = arith.constant 144 : i32
      %parallel_loop3A_210 = vector.broadcast %parallel_loop3A_209 : i32 to vector<16xi32>
      %parallel_loop3A_211 = arith.addi %iota3A, %parallel_loop3A_210 : vector<16xi32>
      %parallel_loop3A_212 = tpu.vector_load_idx %arg5[%parallel_loop3A_211, %parallel_loop3A_145] : memref<200x128xi32, #tpu.memory_space<vmem>>[vector<16xi32>, vector<16xi32>], vector<16xi32>,
      %parallel_loop3A_213 = arith.index_cast %parallel_loop3A_144 : i32 to index
      %parallel_loop3A_214 = arith.constant 144 : index
      %parallel_loop3A_215 = tpu.vector_load %arg6[%parallel_loop3A_213, %parallel_loop3A_214] {strides = array<i32>} : memref<128x200xi32, #tpu.memory_space<vmem>>, vector<16xi32>,
      tpu.vector_store %arg6[%parallel_loop3A_213, %parallel_loop3A_214], %parallel_loop3A_212 {strides = array<i32>} : memref<128x200xi32, #tpu.memory_space<vmem>>, vector<16xi32>,
      %parallel_loop3A_216 = arith.constant 160 : i32
      %parallel_loop3A_217 = vector.broadcast %parallel_loop3A_216 : i32 to vector<16xi32>
      %parallel_loop3A_218 = arith.addi %iota3A, %parallel_loop3A_217 : vector<16xi32>
      %parallel_loop3A_219 = tpu.vector_load_idx %arg5[%parallel_loop3A_218, %parallel_loop3A_145] : memref<200x128xi32, #tpu.memory_space<vmem>>[vector<16xi32>, vector<16xi32>], vector<16xi32>,
      %parallel_loop3A_220 = arith.index_cast %parallel_loop3A_144 : i32 to index
      %parallel_loop3A_221 = arith.constant 160 : index
      %parallel_loop3A_222 = tpu.vector_load %arg6[%parallel_loop3A_220, %parallel_loop3A_221] {strides = array<i32>} : memref<128x200xi32, #tpu.memory_space<vmem>>, vector<16xi32>,
      tpu.vector_store %arg6[%parallel_loop3A_220, %parallel_loop3A_221], %parallel_loop3A_219 {strides = array<i32>} : memref<128x200xi32, #tpu.memory_space<vmem>>, vector<16xi32>,
      %parallel_loop3A_223 = arith.constant 176 : i32
      %parallel_loop3A_224 = vector.broadcast %parallel_loop3A_223 : i32 to vector<16xi32>
      %parallel_loop3A_225 = arith.addi %iota3A, %parallel_loop3A_224 : vector<16xi32>
      %parallel_loop3A_226 = tpu.vector_load_idx %arg5[%parallel_loop3A_225, %parallel_loop3A_145] : memref<200x128xi32, #tpu.memory_space<vmem>>[vector<16xi32>, vector<16xi32>], vector<16xi32>,
      %parallel_loop3A_227 = arith.index_cast %parallel_loop3A_144 : i32 to index
      %parallel_loop3A_228 = arith.constant 176 : index
      %parallel_loop3A_229 = tpu.vector_load %arg6[%parallel_loop3A_227, %parallel_loop3A_228] {strides = array<i32>} : memref<128x200xi32, #tpu.memory_space<vmem>>, vector<16xi32>,
      tpu.vector_store %arg6[%parallel_loop3A_227, %parallel_loop3A_228], %parallel_loop3A_226 {strides = array<i32>} : memref<128x200xi32, #tpu.memory_space<vmem>>, vector<16xi32>,
      %parallel_loop3A_230 = tpu.vector_load_idx %arg5[%min3A_9, %parallel_loop3A_145] : memref<200x128xi32, #tpu.memory_space<vmem>>[vector<16xi32>, vector<16xi32>], vector<16xi32>,
      %parallel_loop3A_231 = arith.constant 192 : i32
      %parallel_loop3A_232 = vector.broadcast %parallel_loop3A_231 : i32 to vector<16xi32>
      %parallel_loop3A_233 = arith.addi %iota3A, %parallel_loop3A_232 : vector<16xi32>
      tpu.vector_store_idx %arg6[%parallel_loop3A_145, %parallel_loop3A_233], %parallel_loop3A_230 masked %lt3A_4 : memref<128x200xi32, #tpu.memory_space<vmem>>[vector<16xi32>, vector<16xi32>], vector<16xi32>, vector<16xi1>
    } {sc.loop_unroll_factor = 2 : i64, sc.parallel_access}
    %dma_start3A = arith.constant 0 : i32
    %dma_start3A_12 = arith.constant 0 : i32
    %dma_start3A_13 = arith.constant 0 : i32
    %dma_start3A_14 = tpu.memref_slice %arg7[%dma_start3A_12, %dma_start3A_13] : memref<200x128xf32, #tpu.memory_space<vmem>> -> memref<104x128xf32, #tpu.memory_space<vmem>>
    %dma_start3A_15 = arith.constant 0 : i32
    %dma_start3A_16 = tpu.memref_slice %arg6[%dma_start3A, %dma_start3A_15] : memref<128x200xi32, #tpu.memory_space<vmem>> -> memref<1x104xi32, #tpu.memory_space<vmem>>
    %dma_start3A_17 = tpu.memref_squeeze %dma_start3A_16 : memref<1x104xi32, #tpu.memory_space<vmem>> -> memref<104xi32, #tpu.memory_space<vmem>>
    %dma_start3A_18 = arith.constant 0 : i32
    %dma_start3A_19 = arith.constant 0 : i32
    %dma_start3A_20 = tpu.memref_slice %arg3[%dma_start3A_18, %dma_start3A_19] : memref<100000x128xf32, #tpu.memory_space<hbm>> -> memref<100000x128xf32, #tpu.memory_space<hbm>>
    tpu.enqueue_indirect_dma source(%dma_start3A_20 : memref<100000x128xf32, #tpu.memory_space<hbm>>) target(%dma_start3A_14 : memref<104x128xf32, #tpu.memory_space<vmem>>) offsets(%dma_start3A_17 : memref<104xi32, #tpu.memory_space<vmem>>) semaphore(%arg10 : memref<!tpu.dma_semaphore, #tpu.memory_space<semaphore_mem>>)
    %dma_start3A_21 = arith.constant 0 : i32
    %dma_start3A_22 = arith.constant 104 : i32
    %dma_start3A_23 = arith.constant 0 : i32
    %dma_start3A_24 = tpu.memref_slice %arg7[%dma_start3A_22, %dma_start3A_23] : memref<200x128xf32, #tpu.memory_space<vmem>> -> memref<96x128xf32, #tpu.memory_space<vmem>>
    %dma_start3A_25 = arith.constant 104 : i32
    %dma_start3A_26 = tpu.memref_slice %arg6[%dma_start3A_21, %dma_start3A_25] : memref<128x200xi32, #tpu.memory_space<vmem>> -> memref<1x96xi32, #tpu.memory_space<vmem>>
    %dma_start3A_27 = tpu.memref_squeeze %dma_start3A_26 : memref<1x96xi32, #tpu.memory_space<vmem>> -> memref<96xi32, #tpu.memory_space<vmem>>
    %dma_start3A_28 = arith.constant 0 : i32
    %dma_start3A_29 = arith.constant 0 : i32
    %dma_start3A_30 = tpu.memref_slice %arg3[%dma_start3A_28, %dma_start3A_29] : memref<100000x128xf32, #tpu.memory_space<hbm>> -> memref<100000x128xf32, #tpu.memory_space<hbm>>
    tpu.enqueue_indirect_dma source(%dma_start3A_30 : memref<100000x128xf32, #tpu.memory_space<hbm>>) target(%dma_start3A_24 : memref<96x128xf32, #tpu.memory_space<vmem>>) offsets(%dma_start3A_27 : memref<96xi32, #tpu.memory_space<vmem>>) semaphore(%arg10 : memref<!tpu.dma_semaphore, #tpu.memory_space<semaphore_mem>>)
    %dma_start3A_31 = arith.constant 1 : i32
    %dma_start3A_32 = arith.constant 0 : i32
    %dma_start3A_33 = arith.constant 0 : i32
    %dma_start3A_34 = tpu.memref_slice %arg8[%dma_start3A_32, %dma_start3A_33] : memref<200x128xf32, #tpu.memory_space<vmem>> -> memref<104x128xf32, #tpu.memory_space<vmem>>
    %dma_start3A_35 = arith.constant 0 : i32
    %dma_start3A_36 = tpu.memref_slice %arg6[%dma_start3A_31, %dma_start3A_35] : memref<128x200xi32, #tpu.memory_space<vmem>> -> memref<1x104xi32, #tpu.memory_space<vmem>>
    %dma_start3A_37 = tpu.memref_squeeze %dma_start3A_36 : memref<1x104xi32, #tpu.memory_space<vmem>> -> memref<104xi32, #tpu.memory_space<vmem>>
    %dma_start3A_38 = arith.constant 0 : i32
    %dma_start3A_39 = arith.constant 0 : i32
    %dma_start3A_40 = tpu.memref_slice %arg3[%dma_start3A_38, %dma_start3A_39] : memref<100000x128xf32, #tpu.memory_space<hbm>> -> memref<100000x128xf32, #tpu.memory_space<hbm>>
    tpu.enqueue_indirect_dma source(%dma_start3A_40 : memref<100000x128xf32, #tpu.memory_space<hbm>>) target(%dma_start3A_34 : memref<104x128xf32, #tpu.memory_space<vmem>>) offsets(%dma_start3A_37 : memref<104xi32, #tpu.memory_space<vmem>>) semaphore(%arg11 : memref<!tpu.dma_semaphore, #tpu.memory_space<semaphore_mem>>)
    %dma_start3A_41 = arith.constant 1 : i32
    %dma_start3A_42 = arith.constant 104 : i32
    %dma_start3A_43 = arith.constant 0 : i32
    %dma_start3A_44 = tpu.memref_slice %arg8[%dma_start3A_42, %dma_start3A_43] : memref<200x128xf32, #tpu.memory_space<vmem>> -> memref<96x128xf32, #tpu.memory_space<vmem>>
    %dma_start3A_45 = arith.constant 104 : i32
    %dma_start3A_46 = tpu.memref_slice %arg6[%dma_start3A_41, %dma_start3A_45] : memref<128x200xi32, #tpu.memory_space<vmem>> -> memref<1x96xi32, #tpu.memory_space<vmem>>
    %dma_start3A_47 = tpu.memref_squeeze %dma_start3A_46 : memref<1x96xi32, #tpu.memory_space<vmem>> -> memref<96xi32, #tpu.memory_space<vmem>>
    %dma_start3A_48 = arith.constant 0 : i32
    %dma_start3A_49 = arith.constant 0 : i32
    %dma_start3A_50 = tpu.memref_slice %arg3[%dma_start3A_48, %dma_start3A_49] : memref<100000x128xf32, #tpu.memory_space<hbm>> -> memref<100000x128xf32, #tpu.memory_space<hbm>>
    tpu.enqueue_indirect_dma source(%dma_start3A_50 : memref<100000x128xf32, #tpu.memory_space<hbm>>) target(%dma_start3A_44 : memref<96x128xf32, #tpu.memory_space<vmem>>) offsets(%dma_start3A_47 : memref<96xi32, #tpu.memory_space<vmem>>) semaphore(%arg11 : memref<!tpu.dma_semaphore, #tpu.memory_space<semaphore_mem>>)
    %scan3A = arith.constant 0 : i32
    %scan3A_51 = arith.constant 42 : i32
    %scan3A_52 = arith.addi %scan3A, %scan3A_51 : i32
    %scan3A_53 = arith.constant 1 : i32
    scf.for %scan3A_144 = %scan3A to %scan3A_52 step %scan3A_53  : i32 {
      %mul3A_145 = arith.constant 3 : i32
      %mul3A_146 = arith.muli %scan3A_144, %mul3A_145 : i32
      %add3A_147 = arith.constant 0 : i32
      %add3A_148 = arith.addi %add3A_147, %mul3A_146 : i32
      %add3A_149 = arith.constant 0 : i32
      %add3A_150 = arith.addi %add3A_148, %add3A_149 : i32
      %dma_wait3A_151 = arith.constant 0 : i32
      %dma_wait3A_152 = arith.constant 0 : i32
      %dma_wait3A_153 = tpu.memref_slice %arg7[%dma_wait3A_151, %dma_wait3A_152] : memref<200x128xf32, #tpu.memory_space<vmem>> -> memref<104x128xf32, #tpu.memory_space<vmem>>
      %dma_wait3A_154 = arith.constant 0 : i32
      %dma_wait3A_155 = tpu.memref_slice %arg6[%add3A_150, %dma_wait3A_154] : memref<128x200xi32, #tpu.memory_space<vmem>> -> memref<1x104xi32, #tpu.memory_space<vmem>>
      %dma_wait3A_156 = tpu.memref_squeeze %dma_wait3A_155 : memref<1x104xi32, #tpu.memory_space<vmem>> -> memref<104xi32, #tpu.memory_space<vmem>>
      %dma_wait3A_157 = arith.constant 0 : i32
      %dma_wait3A_158 = arith.constant 0 : i32
      %dma_wait3A_159 = tpu.memref_slice %arg3[%dma_wait3A_157, %dma_wait3A_158] : memref<100000x128xf32, #tpu.memory_space<hbm>> -> memref<100000x128xf32, #tpu.memory_space<hbm>>
      tpu.wait_indirect_dma semaphore(%arg10 : memref<!tpu.dma_semaphore, #tpu.memory_space<semaphore_mem>>) src(%dma_wait3A_159 : memref<100000x128xf32, #tpu.memory_space<hbm>>) dst(%dma_wait3A_153 : memref<104x128xf32, #tpu.memory_space<vmem>>)
      %dma_wait3A_160 = arith.constant 104 : i32
      %dma_wait3A_161 = arith.constant 0 : i32
      %dma_wait3A_162 = tpu.memref_slice %arg7[%dma_wait3A_160, %dma_wait3A_161] : memref<200x128xf32, #tpu.memory_space<vmem>> -> memref<96x128xf32, #tpu.memory_space<vmem>>
      %dma_wait3A_163 = arith.constant 104 : i32
      %dma_wait3A_164 = tpu.memref_slice %arg6[%add3A_150, %dma_wait3A_163] : memref<128x200xi32, #tpu.memory_space<vmem>> -> memref<1x96xi32, #tpu.memory_space<vmem>>
      %dma_wait3A_165 = tpu.memref_squeeze %dma_wait3A_164 : memref<1x96xi32, #tpu.memory_space<vmem>> -> memref<96xi32, #tpu.memory_space<vmem>>
      %dma_wait3A_166 = arith.constant 0 : i32
      %dma_wait3A_167 = arith.constant 0 : i32
      %dma_wait3A_168 = tpu.memref_slice %arg3[%dma_wait3A_166, %dma_wait3A_167] : memref<100000x128xf32, #tpu.memory_space<hbm>> -> memref<100000x128xf32, #tpu.memory_space<hbm>>
      tpu.wait_indirect_dma semaphore(%arg10 : memref<!tpu.dma_semaphore, #tpu.memory_space<semaphore_mem>>) src(%dma_wait3A_168 : memref<100000x128xf32, #tpu.memory_space<hbm>>) dst(%dma_wait3A_162 : memref<96x128xf32, #tpu.memory_space<vmem>>)
      %add3A_169 = arith.addi %mul3A_2, %add3A_150 : i32
      %dma_start3A_170 = arith.constant 0 : i32
      %dma_start3A_171 = arith.constant 0 : i32
      %dma_start3A_172 = tpu.memref_slice %arg4[%add3A_169, %dma_start3A_170, %dma_start3A_171] : memref<4096x200x128xf32, #tpu.memory_space<hbm>> -> memref<1x200x128xf32, #tpu.memory_space<hbm>>
      %dma_start3A_173 = tpu.memref_squeeze %dma_start3A_172 : memref<1x200x128xf32, #tpu.memory_space<hbm>> -> memref<200x128xf32, #tpu.memory_space<hbm>>
      %dma_start3A_174 = arith.constant 0 : i32
      %dma_start3A_175 = arith.constant 0 : i32
      %dma_start3A_176 = tpu.memref_slice %arg4[%add3A_169, %dma_start3A_174, %dma_start3A_175] : memref<4096x200x128xf32, #tpu.memory_space<hbm>> -> memref<1x200x128xf32, #tpu.memory_space<hbm>>
      %dma_start3A_177 = tpu.memref_squeeze %dma_start3A_176 : memref<1x200x128xf32, #tpu.memory_space<hbm>> -> memref<200x128xf32, #tpu.memory_space<hbm>>
      tpu.enqueue_dma source(%arg7 : memref<200x128xf32, #tpu.memory_space<vmem>>) target(%dma_start3A_177 : memref<200x128xf32, #tpu.memory_space<hbm>>) target_semaphore(%arg13 : memref<!tpu.dma_semaphore, #tpu.memory_space<semaphore_mem>>)
      %add3A_178 = arith.constant 2 : i32
      %add3A_179 = arith.addi %add3A_150, %add3A_178 : i32
      %lt3A_180 = arith.constant 128 : i32
      %lt3A_181 = arith.cmpi slt, %add3A_179, %lt3A_180 : i32
      %convert_element_type3A = arith.extui %lt3A_181 : i1 to i32
      %cond3A = arith.constant 0 : i32
      %cond3A_182 = arith.cmpi ne, %convert_element_type3A, %cond3A : i32
      scf.if %cond3A_182 {
        %ge3A = arith.constant 1 : i32
        %ge3A_255 = arith.cmpi sge, %add3A_150, %ge3A : i32
        %convert_element_type3A_256 = arith.extui %ge3A_255 : i1 to i32
        %cond3A_257 = arith.constant 0 : i32
        %cond3A_258 = arith.cmpi ne, %convert_element_type3A_256, %cond3A_257 : i32
        scf.if %cond3A_258 {
          %sub3A = arith.constant 1 : i32
          %sub3A_279 = arith.subi %add3A_150, %sub3A : i32
          %add3A_280 = arith.addi %mul3A_2, %sub3A_279 : i32
          %dma_wait3A_281 = arith.constant 0 : i32
          %dma_wait3A_282 = arith.constant 0 : i32
          %dma_wait3A_283 = tpu.memref_slice %arg4[%add3A_280, %dma_wait3A_281, %dma_wait3A_282] : memref<4096x200x128xf32, #tpu.memory_space<hbm>> -> memref<1x200x128xf32, #tpu.memory_space<hbm>>
          %dma_wait3A_284 = tpu.memref_squeeze %dma_wait3A_283 : memref<1x200x128xf32, #tpu.memory_space<hbm>> -> memref<200x128xf32, #tpu.memory_space<hbm>>
          %dma_wait3A_285 = arith.constant 0 : i32
          %dma_wait3A_286 = arith.constant 0 : i32
          %dma_wait3A_287 = tpu.memref_slice %arg4[%add3A_280, %dma_wait3A_285, %dma_wait3A_286] : memref<4096x200x128xf32, #tpu.memory_space<hbm>> -> memref<1x200x128xf32, #tpu.memory_space<hbm>>
          %dma_wait3A_288 = tpu.memref_squeeze %dma_wait3A_287 : memref<1x200x128xf32, #tpu.memory_space<hbm>> -> memref<200x128xf32, #tpu.memory_space<hbm>>
          tpu.wait_dma2 semaphore(%arg15 : memref<!tpu.dma_semaphore, #tpu.memory_space<semaphore_mem>>) src(%arg9 : memref<200x128xf32, #tpu.memory_space<vmem>>) dst(%dma_wait3A_288 : memref<200x128xf32, #tpu.memory_space<hbm>>)
        } else {
        }
        %add3A_259 = arith.constant 2 : i32
        %add3A_260 = arith.addi %add3A_150, %add3A_259 : i32
        %dma_start3A_261 = arith.constant 0 : i32
        %dma_start3A_262 = arith.constant 0 : i32
        %dma_start3A_263 = tpu.memref_slice %arg9[%dma_start3A_261, %dma_start3A_262] : memref<200x128xf32, #tpu.memory_space<vmem>> -> memref<104x128xf32, #tpu.memory_space<vmem>>
        %dma_start3A_264 = arith.constant 0 : i32
        %dma_start3A_265 = tpu.memref_slice %arg6[%add3A_260, %dma_start3A_264] : memref<128x200xi32, #tpu.memory_space<vmem>> -> memref<1x104xi32, #tpu.memory_space<vmem>>
        %dma_start3A_266 = tpu.memref_squeeze %dma_start3A_265 : memref<1x104xi32, #tpu.memory_space<vmem>> -> memref<104xi32, #tpu.memory_space<vmem>>
        %dma_start3A_267 = arith.constant 0 : i32
        %dma_start3A_268 = arith.constant 0 : i32
        %dma_start3A_269 = tpu.memref_slice %arg3[%dma_start3A_267, %dma_start3A_268] : memref<100000x128xf32, #tpu.memory_space<hbm>> -> memref<100000x128xf32, #tpu.memory_space<hbm>>
        tpu.enqueue_indirect_dma source(%dma_start3A_269 : memref<100000x128xf32, #tpu.memory_space<hbm>>) target(%dma_start3A_263 : memref<104x128xf32, #tpu.memory_space<vmem>>) offsets(%dma_start3A_266 : memref<104xi32, #tpu.memory_space<vmem>>) semaphore(%arg12 : memref<!tpu.dma_semaphore, #tpu.memory_space<semaphore_mem>>)
        %dma_start3A_270 = arith.constant 104 : i32
        %dma_start3A_271 = arith.constant 0 : i32
        %dma_start3A_272 = tpu.memref_slice %arg9[%dma_start3A_270, %dma_start3A_271] : memref<200x128xf32, #tpu.memory_space<vmem>> -> memref<96x128xf32, #tpu.memory_space<vmem>>
        %dma_start3A_273 = arith.constant 104 : i32
        %dma_start3A_274 = tpu.memref_slice %arg6[%add3A_260, %dma_start3A_273] : memref<128x200xi32, #tpu.memory_space<vmem>> -> memref<1x96xi32, #tpu.memory_space<vmem>>
        %dma_start3A_275 = tpu.memref_squeeze %dma_start3A_274 : memref<1x96xi32, #tpu.memory_space<vmem>> -> memref<96xi32, #tpu.memory_space<vmem>>
        %dma_start3A_276 = arith.constant 0 : i32
        %dma_start3A_277 = arith.constant 0 : i32
        %dma_start3A_278 = tpu.memref_slice %arg3[%dma_start3A_276, %dma_start3A_277] : memref<100000x128xf32, #tpu.memory_space<hbm>> -> memref<100000x128xf32, #tpu.memory_space<hbm>>
        tpu.enqueue_indirect_dma source(%dma_start3A_278 : memref<100000x128xf32, #tpu.memory_space<hbm>>) target(%dma_start3A_272 : memref<96x128xf32, #tpu.memory_space<vmem>>) offsets(%dma_start3A_275 : memref<96xi32, #tpu.memory_space<vmem>>) semaphore(%arg12 : memref<!tpu.dma_semaphore, #tpu.memory_space<semaphore_mem>>)
      } else {
      }
      %add3A_183 = arith.constant 1 : i32
      %add3A_184 = arith.addi %add3A_148, %add3A_183 : i32
      %dma_wait3A_185 = arith.constant 0 : i32
      %dma_wait3A_186 = arith.constant 0 : i32
      %dma_wait3A_187 = tpu.memref_slice %arg8[%dma_wait3A_185, %dma_wait3A_186] : memref<200x128xf32, #tpu.memory_space<vmem>> -> memref<104x128xf32, #tpu.memory_space<vmem>>
      %dma_wait3A_188 = arith.constant 0 : i32
      %dma_wait3A_189 = tpu.memref_slice %arg6[%add3A_184, %dma_wait3A_188] : memref<128x200xi32, #tpu.memory_space<vmem>> -> memref<1x104xi32, #tpu.memory_space<vmem>>
      %dma_wait3A_190 = tpu.memref_squeeze %dma_wait3A_189 : memref<1x104xi32, #tpu.memory_space<vmem>> -> memref<104xi32, #tpu.memory_space<vmem>>
      %dma_wait3A_191 = arith.constant 0 : i32
      %dma_wait3A_192 = arith.constant 0 : i32
      %dma_wait3A_193 = tpu.memref_slice %arg3[%dma_wait3A_191, %dma_wait3A_192] : memref<100000x128xf32, #tpu.memory_space<hbm>> -> memref<100000x128xf32, #tpu.memory_space<hbm>>
      tpu.wait_indirect_dma semaphore(%arg11 : memref<!tpu.dma_semaphore, #tpu.memory_space<semaphore_mem>>) src(%dma_wait3A_193 : memref<100000x128xf32, #tpu.memory_space<hbm>>) dst(%dma_wait3A_187 : memref<104x128xf32, #tpu.memory_space<vmem>>)
      %dma_wait3A_194 = arith.constant 104 : i32
      %dma_wait3A_195 = arith.constant 0 : i32
      %dma_wait3A_196 = tpu.memref_slice %arg8[%dma_wait3A_194, %dma_wait3A_195] : memref<200x128xf32, #tpu.memory_space<vmem>> -> memref<96x128xf32, #tpu.memory_space<vmem>>
      %dma_wait3A_197 = arith.constant 104 : i32
      %dma_wait3A_198 = tpu.memref_slice %arg6[%add3A_184, %dma_wait3A_197] : memref<128x200xi32, #tpu.memory_space<vmem>> -> memref<1x96xi32, #tpu.memory_space<vmem>>
      %dma_wait3A_199 = tpu.memref_squeeze %dma_wait3A_198 : memref<1x96xi32, #tpu.memory_space<vmem>> -> memref<96xi32, #tpu.memory_space<vmem>>
      %dma_wait3A_200 = arith.constant 0 : i32
      %dma_wait3A_201 = arith.constant 0 : i32
      %dma_wait3A_202 = tpu.memref_slice %arg3[%dma_wait3A_200, %dma_wait3A_201] : memref<100000x128xf32, #tpu.memory_space<hbm>> -> memref<100000x128xf32, #tpu.memory_space<hbm>>
      tpu.wait_indirect_dma semaphore(%arg11 : memref<!tpu.dma_semaphore, #tpu.memory_space<semaphore_mem>>) src(%dma_wait3A_202 : memref<100000x128xf32, #tpu.memory_space<hbm>>) dst(%dma_wait3A_196 : memref<96x128xf32, #tpu.memory_space<vmem>>)
      %add3A_203 = arith.addi %mul3A_2, %add3A_184 : i32
      %dma_start3A_204 = arith.constant 0 : i32
      %dma_start3A_205 = arith.constant 0 : i32
      %dma_start3A_206 = tpu.memref_slice %arg4[%add3A_203, %dma_start3A_204, %dma_start3A_205] : memref<4096x200x128xf32, #tpu.memory_space<hbm>> -> memref<1x200x128xf32, #tpu.memory_space<hbm>>
      %dma_start3A_207 = tpu.memref_squeeze %dma_start3A_206 : memref<1x200x128xf32, #tpu.memory_space<hbm>> -> memref<200x128xf32, #tpu.memory_space<hbm>>
      %dma_start3A_208 = arith.constant 0 : i32
      %dma_start3A_209 = arith.constant 0 : i32
      %dma_start3A_210 = tpu.memref_slice %arg4[%add3A_203, %dma_start3A_208, %dma_start3A_209] : memref<4096x200x128xf32, #tpu.memory_space<hbm>> -> memref<1x200x128xf32, #tpu.memory_space<hbm>>
      %dma_start3A_211 = tpu.memref_squeeze %dma_start3A_210 : memref<1x200x128xf32, #tpu.memory_space<hbm>> -> memref<200x128xf32, #tpu.memory_space<hbm>>
      tpu.enqueue_dma source(%arg8 : memref<200x128xf32, #tpu.memory_space<vmem>>) target(%dma_start3A_211 : memref<200x128xf32, #tpu.memory_space<hbm>>) target_semaphore(%arg14 : memref<!tpu.dma_semaphore, #tpu.memory_space<semaphore_mem>>)
      %add3A_212 = arith.constant 2 : i32
      %add3A_213 = arith.addi %add3A_184, %add3A_212 : i32
      %lt3A_214 = arith.constant 128 : i32
      %lt3A_215 = arith.cmpi slt, %add3A_213, %lt3A_214 : i32
      %convert_element_type3A_216 = arith.extui %lt3A_215 : i1 to i32
      %cond3A_217 = arith.constant 0 : i32
      %cond3A_218 = arith.cmpi ne, %convert_element_type3A_216, %cond3A_217 : i32
      scf.if %cond3A_218 {
        %ge3A = arith.constant 1 : i32
        %ge3A_255 = arith.cmpi sge, %add3A_184, %ge3A : i32
        %convert_element_type3A_256 = arith.extui %ge3A_255 : i1 to i32
        %cond3A_257 = arith.constant 0 : i32
        %cond3A_258 = arith.cmpi ne, %convert_element_type3A_256, %cond3A_257 : i32
        scf.if %cond3A_258 {
          %sub3A = arith.constant 1 : i32
          %sub3A_279 = arith.subi %add3A_184, %sub3A : i32
          %add3A_280 = arith.addi %mul3A_2, %sub3A_279 : i32
          %dma_wait3A_281 = arith.constant 0 : i32
          %dma_wait3A_282 = arith.constant 0 : i32
          %dma_wait3A_283 = tpu.memref_slice %arg4[%add3A_280, %dma_wait3A_281, %dma_wait3A_282] : memref<4096x200x128xf32, #tpu.memory_space<hbm>> -> memref<1x200x128xf32, #tpu.memory_space<hbm>>
          %dma_wait3A_284 = tpu.memref_squeeze %dma_wait3A_283 : memref<1x200x128xf32, #tpu.memory_space<hbm>> -> memref<200x128xf32, #tpu.memory_space<hbm>>
          %dma_wait3A_285 = arith.constant 0 : i32
          %dma_wait3A_286 = arith.constant 0 : i32
          %dma_wait3A_287 = tpu.memref_slice %arg4[%add3A_280, %dma_wait3A_285, %dma_wait3A_286] : memref<4096x200x128xf32, #tpu.memory_space<hbm>> -> memref<1x200x128xf32, #tpu.memory_space<hbm>>
          %dma_wait3A_288 = tpu.memref_squeeze %dma_wait3A_287 : memref<1x200x128xf32, #tpu.memory_space<hbm>> -> memref<200x128xf32, #tpu.memory_space<hbm>>
          tpu.wait_dma2 semaphore(%arg13 : memref<!tpu.dma_semaphore, #tpu.memory_space<semaphore_mem>>) src(%arg7 : memref<200x128xf32, #tpu.memory_space<vmem>>) dst(%dma_wait3A_288 : memref<200x128xf32, #tpu.memory_space<hbm>>)
        } else {
        }
        %add3A_259 = arith.constant 2 : i32
        %add3A_260 = arith.addi %add3A_184, %add3A_259 : i32
        %dma_start3A_261 = arith.constant 0 : i32
        %dma_start3A_262 = arith.constant 0 : i32
        %dma_start3A_263 = tpu.memref_slice %arg7[%dma_start3A_261, %dma_start3A_262] : memref<200x128xf32, #tpu.memory_space<vmem>> -> memref<104x128xf32, #tpu.memory_space<vmem>>
        %dma_start3A_264 = arith.constant 0 : i32
        %dma_start3A_265 = tpu.memref_slice %arg6[%add3A_260, %dma_start3A_264] : memref<128x200xi32, #tpu.memory_space<vmem>> -> memref<1x104xi32, #tpu.memory_space<vmem>>
        %dma_start3A_266 = tpu.memref_squeeze %dma_start3A_265 : memref<1x104xi32, #tpu.memory_space<vmem>> -> memref<104xi32, #tpu.memory_space<vmem>>
        %dma_start3A_267 = arith.constant 0 : i32
        %dma_start3A_268 = arith.constant 0 : i32
        %dma_start3A_269 = tpu.memref_slice %arg3[%dma_start3A_267, %dma_start3A_268] : memref<100000x128xf32, #tpu.memory_space<hbm>> -> memref<100000x128xf32, #tpu.memory_space<hbm>>
        tpu.enqueue_indirect_dma source(%dma_start3A_269 : memref<100000x128xf32, #tpu.memory_space<hbm>>) target(%dma_start3A_263 : memref<104x128xf32, #tpu.memory_space<vmem>>) offsets(%dma_start3A_266 : memref<104xi32, #tpu.memory_space<vmem>>) semaphore(%arg10 : memref<!tpu.dma_semaphore, #tpu.memory_space<semaphore_mem>>)
        %dma_start3A_270 = arith.constant 104 : i32
        %dma_start3A_271 = arith.constant 0 : i32
        %dma_start3A_272 = tpu.memref_slice %arg7[%dma_start3A_270, %dma_start3A_271] : memref<200x128xf32, #tpu.memory_space<vmem>> -> memref<96x128xf32, #tpu.memory_space<vmem>>
        %dma_start3A_273 = arith.constant 104 : i32
        %dma_start3A_274 = tpu.memref_slice %arg6[%add3A_260, %dma_start3A_273] : memref<128x200xi32, #tpu.memory_space<vmem>> -> memref<1x96xi32, #tpu.memory_space<vmem>>
        %dma_start3A_275 = tpu.memref_squeeze %dma_start3A_274 : memref<1x96xi32, #tpu.memory_space<vmem>> -> memref<96xi32, #tpu.memory_space<vmem>>
        %dma_start3A_276 = arith.constant 0 : i32
        %dma_start3A_277 = arith.constant 0 : i32
        %dma_start3A_278 = tpu.memref_slice %arg3[%dma_start3A_276, %dma_start3A_277] : memref<100000x128xf32, #tpu.memory_space<hbm>> -> memref<100000x128xf32, #tpu.memory_space<hbm>>
        tpu.enqueue_indirect_dma source(%dma_start3A_278 : memref<100000x128xf32, #tpu.memory_space<hbm>>) target(%dma_start3A_272 : memref<96x128xf32, #tpu.memory_space<vmem>>) offsets(%dma_start3A_275 : memref<96xi32, #tpu.memory_space<vmem>>) semaphore(%arg10 : memref<!tpu.dma_semaphore, #tpu.memory_space<semaphore_mem>>)
      } else {
      }
      %add3A_219 = arith.constant 2 : i32
      %add3A_220 = arith.addi %add3A_148, %add3A_219 : i32
      %dma_wait3A_221 = arith.constant 0 : i32
      %dma_wait3A_222 = arith.constant 0 : i32
      %dma_wait3A_223 = tpu.memref_slice %arg9[%dma_wait3A_221, %dma_wait3A_222] : memref<200x128xf32, #tpu.memory_space<vmem>> -> memref<104x128xf32, #tpu.memory_space<vmem>>
      %dma_wait3A_224 = arith.constant 0 : i32
      %dma_wait3A_225 = tpu.memref_slice %arg6[%add3A_220, %dma_wait3A_224] : memref<128x200xi32, #tpu.memory_space<vmem>> -> memref<1x104xi32, #tpu.memory_space<vmem>>
      %dma_wait3A_226 = tpu.memref_squeeze %dma_wait3A_225 : memref<1x104xi32, #tpu.memory_space<vmem>> -> memref<104xi32, #tpu.memory_space<vmem>>
      %dma_wait3A_227 = arith.constant 0 : i32
      %dma_wait3A_228 = arith.constant 0 : i32
      %dma_wait3A_229 = tpu.memref_slice %arg3[%dma_wait3A_227, %dma_wait3A_228] : memref<100000x128xf32, #tpu.memory_space<hbm>> -> memref<100000x128xf32, #tpu.memory_space<hbm>>
      tpu.wait_indirect_dma semaphore(%arg12 : memref<!tpu.dma_semaphore, #tpu.memory_space<semaphore_mem>>) src(%dma_wait3A_229 : memref<100000x128xf32, #tpu.memory_space<hbm>>) dst(%dma_wait3A_223 : memref<104x128xf32, #tpu.memory_space<vmem>>)
      %dma_wait3A_230 = arith.constant 104 : i32
      %dma_wait3A_231 = arith.constant 0 : i32
      %dma_wait3A_232 = tpu.memref_slice %arg9[%dma_wait3A_230, %dma_wait3A_231] : memref<200x128xf32, #tpu.memory_space<vmem>> -> memref<96x128xf32, #tpu.memory_space<vmem>>
      %dma_wait3A_233 = arith.constant 104 : i32
      %dma_wait3A_234 = tpu.memref_slice %arg6[%add3A_220, %dma_wait3A_233] : memref<128x200xi32, #tpu.memory_space<vmem>> -> memref<1x96xi32, #tpu.memory_space<vmem>>
      %dma_wait3A_235 = tpu.memref_squeeze %dma_wait3A_234 : memref<1x96xi32, #tpu.memory_space<vmem>> -> memref<96xi32, #tpu.memory_space<vmem>>
      %dma_wait3A_236 = arith.constant 0 : i32
      %dma_wait3A_237 = arith.constant 0 : i32
      %dma_wait3A_238 = tpu.memref_slice %arg3[%dma_wait3A_236, %dma_wait3A_237] : memref<100000x128xf32, #tpu.memory_space<hbm>> -> memref<100000x128xf32, #tpu.memory_space<hbm>>
      tpu.wait_indirect_dma semaphore(%arg12 : memref<!tpu.dma_semaphore, #tpu.memory_space<semaphore_mem>>) src(%dma_wait3A_238 : memref<100000x128xf32, #tpu.memory_space<hbm>>) dst(%dma_wait3A_232 : memref<96x128xf32, #tpu.memory_space<vmem>>)
      %add3A_239 = arith.addi %mul3A_2, %add3A_220 : i32
      %dma_start3A_240 = arith.constant 0 : i32
      %dma_start3A_241 = arith.constant 0 : i32
      %dma_start3A_242 = tpu.memref_slice %arg4[%add3A_239, %dma_start3A_240, %dma_start3A_241] : memref<4096x200x128xf32, #tpu.memory_space<hbm>> -> memref<1x200x128xf32, #tpu.memory_space<hbm>>
      %dma_start3A_243 = tpu.memref_squeeze %dma_start3A_242 : memref<1x200x128xf32, #tpu.memory_space<hbm>> -> memref<200x128xf32, #tpu.memory_space<hbm>>
      %dma_start3A_244 = arith.constant 0 : i32
      %dma_start3A_245 = arith.constant 0 : i32
      %dma_start3A_246 = tpu.memref_slice %arg4[%add3A_239, %dma_start3A_244, %dma_start3A_245] : memref<4096x200x128xf32, #tpu.memory_space<hbm>> -> memref<1x200x128xf32, #tpu.memory_space<hbm>>
      %dma_start3A_247 = tpu.memref_squeeze %dma_start3A_246 : memref<1x200x128xf32, #tpu.memory_space<hbm>> -> memref<200x128xf32, #tpu.memory_space<hbm>>
      tpu.enqueue_dma source(%arg9 : memref<200x128xf32, #tpu.memory_space<vmem>>) target(%dma_start3A_247 : memref<200x128xf32, #tpu.memory_space<hbm>>) target_semaphore(%arg15 : memref<!tpu.dma_semaphore, #tpu.memory_space<semaphore_mem>>)
      %add3A_248 = arith.constant 2 : i32
      %add3A_249 = arith.addi %add3A_220, %add3A_248 : i32
      %lt3A_250 = arith.constant 128 : i32
      %lt3A_251 = arith.cmpi slt, %add3A_249, %lt3A_250 : i32
      %convert_element_type3A_252 = arith.extui %lt3A_251 : i1 to i32
      %cond3A_253 = arith.constant 0 : i32
      %cond3A_254 = arith.cmpi ne, %convert_element_type3A_252, %cond3A_253 : i32
      scf.if %cond3A_254 {
        %ge3A = arith.constant 1 : i32
        %ge3A_255 = arith.cmpi sge, %add3A_220, %ge3A : i32
        %convert_element_type3A_256 = arith.extui %ge3A_255 : i1 to i32
        %cond3A_257 = arith.constant 0 : i32
        %cond3A_258 = arith.cmpi ne, %convert_element_type3A_256, %cond3A_257 : i32
        scf.if %cond3A_258 {
          %sub3A = arith.constant 1 : i32
          %sub3A_279 = arith.subi %add3A_220, %sub3A : i32
          %add3A_280 = arith.addi %mul3A_2, %sub3A_279 : i32
          %dma_wait3A_281 = arith.constant 0 : i32
          %dma_wait3A_282 = arith.constant 0 : i32
          %dma_wait3A_283 = tpu.memref_slice %arg4[%add3A_280, %dma_wait3A_281, %dma_wait3A_282] : memref<4096x200x128xf32, #tpu.memory_space<hbm>> -> memref<1x200x128xf32, #tpu.memory_space<hbm>>
          %dma_wait3A_284 = tpu.memref_squeeze %dma_wait3A_283 : memref<1x200x128xf32, #tpu.memory_space<hbm>> -> memref<200x128xf32, #tpu.memory_space<hbm>>
          %dma_wait3A_285 = arith.constant 0 : i32
          %dma_wait3A_286 = arith.constant 0 : i32
          %dma_wait3A_287 = tpu.memref_slice %arg4[%add3A_280, %dma_wait3A_285, %dma_wait3A_286] : memref<4096x200x128xf32, #tpu.memory_space<hbm>> -> memref<1x200x128xf32, #tpu.memory_space<hbm>>
          %dma_wait3A_288 = tpu.memref_squeeze %dma_wait3A_287 : memref<1x200x128xf32, #tpu.memory_space<hbm>> -> memref<200x128xf32, #tpu.memory_space<hbm>>
          tpu.wait_dma2 semaphore(%arg14 : memref<!tpu.dma_semaphore, #tpu.memory_space<semaphore_mem>>) src(%arg8 : memref<200x128xf32, #tpu.memory_space<vmem>>) dst(%dma_wait3A_288 : memref<200x128xf32, #tpu.memory_space<hbm>>)
        } else {
        }
        %add3A_259 = arith.constant 2 : i32
        %add3A_260 = arith.addi %add3A_220, %add3A_259 : i32
        %dma_start3A_261 = arith.constant 0 : i32
        %dma_start3A_262 = arith.constant 0 : i32
        %dma_start3A_263 = tpu.memref_slice %arg8[%dma_start3A_261, %dma_start3A_262] : memref<200x128xf32, #tpu.memory_space<vmem>> -> memref<104x128xf32, #tpu.memory_space<vmem>>
        %dma_start3A_264 = arith.constant 0 : i32
        %dma_start3A_265 = tpu.memref_slice %arg6[%add3A_260, %dma_start3A_264] : memref<128x200xi32, #tpu.memory_space<vmem>> -> memref<1x104xi32, #tpu.memory_space<vmem>>
        %dma_start3A_266 = tpu.memref_squeeze %dma_start3A_265 : memref<1x104xi32, #tpu.memory_space<vmem>> -> memref<104xi32, #tpu.memory_space<vmem>>
        %dma_start3A_267 = arith.constant 0 : i32
        %dma_start3A_268 = arith.constant 0 : i32
        %dma_start3A_269 = tpu.memref_slice %arg3[%dma_start3A_267, %dma_start3A_268] : memref<100000x128xf32, #tpu.memory_space<hbm>> -> memref<100000x128xf32, #tpu.memory_space<hbm>>
        tpu.enqueue_indirect_dma source(%dma_start3A_269 : memref<100000x128xf32, #tpu.memory_space<hbm>>) target(%dma_start3A_263 : memref<104x128xf32, #tpu.memory_space<vmem>>) offsets(%dma_start3A_266 : memref<104xi32, #tpu.memory_space<vmem>>) semaphore(%arg11 : memref<!tpu.dma_semaphore, #tpu.memory_space<semaphore_mem>>)
        %dma_start3A_270 = arith.constant 104 : i32
        %dma_start3A_271 = arith.constant 0 : i32
        %dma_start3A_272 = tpu.memref_slice %arg8[%dma_start3A_270, %dma_start3A_271] : memref<200x128xf32, #tpu.memory_space<vmem>> -> memref<96x128xf32, #tpu.memory_space<vmem>>
        %dma_start3A_273 = arith.constant 104 : i32
        %dma_start3A_274 = tpu.memref_slice %arg6[%add3A_260, %dma_start3A_273] : memref<128x200xi32, #tpu.memory_space<vmem>> -> memref<1x96xi32, #tpu.memory_space<vmem>>
        %dma_start3A_275 = tpu.memref_squeeze %dma_start3A_274 : memref<1x96xi32, #tpu.memory_space<vmem>> -> memref<96xi32, #tpu.memory_space<vmem>>
        %dma_start3A_276 = arith.constant 0 : i32
        %dma_start3A_277 = arith.constant 0 : i32
        %dma_start3A_278 = tpu.memref_slice %arg3[%dma_start3A_276, %dma_start3A_277] : memref<100000x128xf32, #tpu.memory_space<hbm>> -> memref<100000x128xf32, #tpu.memory_space<hbm>>
        tpu.enqueue_indirect_dma source(%dma_start3A_278 : memref<100000x128xf32, #tpu.memory_space<hbm>>) target(%dma_start3A_272 : memref<96x128xf32, #tpu.memory_space<vmem>>) offsets(%dma_start3A_275 : memref<96xi32, #tpu.memory_space<vmem>>) semaphore(%arg11 : memref<!tpu.dma_semaphore, #tpu.memory_space<semaphore_mem>>)
      } else {
      }
    }
    %scan3A_54 = arith.constant 42 : i32
    %dma_wait3A = arith.constant 126 : i32
    %dma_wait3A_55 = arith.constant 0 : i32
    %dma_wait3A_56 = arith.constant 0 : i32
    %dma_wait3A_57 = tpu.memref_slice %arg7[%dma_wait3A_55, %dma_wait3A_56] : memref<200x128xf32, #tpu.memory_space<vmem>> -> memref<104x128xf32, #tpu.memory_space<vmem>>
    %dma_wait3A_58 = arith.constant 0 : i32
    %dma_wait3A_59 = tpu.memref_slice %arg6[%dma_wait3A, %dma_wait3A_58] : memref<128x200xi32, #tpu.memory_space<vmem>> -> memref<1x104xi32, #tpu.memory_space<vmem>>
    %dma_wait3A_60 = tpu.memref_squeeze %dma_wait3A_59 : memref<1x104xi32, #tpu.memory_space<vmem>> -> memref<104xi32, #tpu.memory_space<vmem>>
    %dma_wait3A_61 = arith.constant 0 : i32
    %dma_wait3A_62 = arith.constant 0 : i32
    %dma_wait3A_63 = tpu.memref_slice %arg3[%dma_wait3A_61, %dma_wait3A_62] : memref<100000x128xf32, #tpu.memory_space<hbm>> -> memref<100000x128xf32, #tpu.memory_space<hbm>>
    tpu.wait_indirect_dma semaphore(%arg10 : memref<!tpu.dma_semaphore, #tpu.memory_space<semaphore_mem>>) src(%dma_wait3A_63 : memref<100000x128xf32, #tpu.memory_space<hbm>>) dst(%dma_wait3A_57 : memref<104x128xf32, #tpu.memory_space<vmem>>)
    %dma_wait3A_64 = arith.constant 126 : i32
    %dma_wait3A_65 = arith.constant 104 : i32
    %dma_wait3A_66 = arith.constant 0 : i32
    %dma_wait3A_67 = tpu.memref_slice %arg7[%dma_wait3A_65, %dma_wait3A_66] : memref<200x128xf32, #tpu.memory_space<vmem>> -> memref<96x128xf32, #tpu.memory_space<vmem>>
    %dma_wait3A_68 = arith.constant 104 : i32
    %dma_wait3A_69 = tpu.memref_slice %arg6[%dma_wait3A_64, %dma_wait3A_68] : memref<128x200xi32, #tpu.memory_space<vmem>> -> memref<1x96xi32, #tpu.memory_space<vmem>>
    %dma_wait3A_70 = tpu.memref_squeeze %dma_wait3A_69 : memref<1x96xi32, #tpu.memory_space<vmem>> -> memref<96xi32, #tpu.memory_space<vmem>>
    %dma_wait3A_71 = arith.constant 0 : i32
    %dma_wait3A_72 = arith.constant 0 : i32
    %dma_wait3A_73 = tpu.memref_slice %arg3[%dma_wait3A_71, %dma_wait3A_72] : memref<100000x128xf32, #tpu.memory_space<hbm>> -> memref<100000x128xf32, #tpu.memory_space<hbm>>
    tpu.wait_indirect_dma semaphore(%arg10 : memref<!tpu.dma_semaphore, #tpu.memory_space<semaphore_mem>>) src(%dma_wait3A_73 : memref<100000x128xf32, #tpu.memory_space<hbm>>) dst(%dma_wait3A_67 : memref<96x128xf32, #tpu.memory_space<vmem>>)
    %add3A_74 = arith.constant 126 : i32
    %add3A_75 = arith.addi %mul3A_2, %add3A_74 : i32
    %dma_start3A_76 = arith.constant 0 : i32
    %dma_start3A_77 = arith.constant 0 : i32
    %dma_start3A_78 = tpu.memref_slice %arg4[%add3A_75, %dma_start3A_76, %dma_start3A_77] : memref<4096x200x128xf32, #tpu.memory_space<hbm>> -> memref<1x200x128xf32, #tpu.memory_space<hbm>>
    %dma_start3A_79 = tpu.memref_squeeze %dma_start3A_78 : memref<1x200x128xf32, #tpu.memory_space<hbm>> -> memref<200x128xf32, #tpu.memory_space<hbm>>
    %dma_start3A_80 = arith.constant 0 : i32
    %dma_start3A_81 = arith.constant 0 : i32
    %dma_start3A_82 = tpu.memref_slice %arg4[%add3A_75, %dma_start3A_80, %dma_start3A_81] : memref<4096x200x128xf32, #tpu.memory_space<hbm>> -> memref<1x200x128xf32, #tpu.memory_space<hbm>>
    %dma_start3A_83 = tpu.memref_squeeze %dma_start3A_82 : memref<1x200x128xf32, #tpu.memory_space<hbm>> -> memref<200x128xf32, #tpu.memory_space<hbm>>
    tpu.enqueue_dma source(%arg7 : memref<200x128xf32, #tpu.memory_space<vmem>>) target(%dma_start3A_83 : memref<200x128xf32, #tpu.memory_space<hbm>>) target_semaphore(%arg13 : memref<!tpu.dma_semaphore, #tpu.memory_space<semaphore_mem>>)
    %dma_wait3A_84 = arith.constant 127 : i32
    %dma_wait3A_85 = arith.constant 0 : i32
    %dma_wait3A_86 = arith.constant 0 : i32
    %dma_wait3A_87 = tpu.memref_slice %arg8[%dma_wait3A_85, %dma_wait3A_86] : memref<200x128xf32, #tpu.memory_space<vmem>> -> memref<104x128xf32, #tpu.memory_space<vmem>>
    %dma_wait3A_88 = arith.constant 0 : i32
    %dma_wait3A_89 = tpu.memref_slice %arg6[%dma_wait3A_84, %dma_wait3A_88] : memref<128x200xi32, #tpu.memory_space<vmem>> -> memref<1x104xi32, #tpu.memory_space<vmem>>
    %dma_wait3A_90 = tpu.memref_squeeze %dma_wait3A_89 : memref<1x104xi32, #tpu.memory_space<vmem>> -> memref<104xi32, #tpu.memory_space<vmem>>
    %dma_wait3A_91 = arith.constant 0 : i32
    %dma_wait3A_92 = arith.constant 0 : i32
    %dma_wait3A_93 = tpu.memref_slice %arg3[%dma_wait3A_91, %dma_wait3A_92] : memref<100000x128xf32, #tpu.memory_space<hbm>> -> memref<100000x128xf32, #tpu.memory_space<hbm>>
    tpu.wait_indirect_dma semaphore(%arg11 : memref<!tpu.dma_semaphore, #tpu.memory_space<semaphore_mem>>) src(%dma_wait3A_93 : memref<100000x128xf32, #tpu.memory_space<hbm>>) dst(%dma_wait3A_87 : memref<104x128xf32, #tpu.memory_space<vmem>>)
    %dma_wait3A_94 = arith.constant 127 : i32
    %dma_wait3A_95 = arith.constant 104 : i32
    %dma_wait3A_96 = arith.constant 0 : i32
    %dma_wait3A_97 = tpu.memref_slice %arg8[%dma_wait3A_95, %dma_wait3A_96] : memref<200x128xf32, #tpu.memory_space<vmem>> -> memref<96x128xf32, #tpu.memory_space<vmem>>
    %dma_wait3A_98 = arith.constant 104 : i32
    %dma_wait3A_99 = tpu.memref_slice %arg6[%dma_wait3A_94, %dma_wait3A_98] : memref<128x200xi32, #tpu.memory_space<vmem>> -> memref<1x96xi32, #tpu.memory_space<vmem>>
    %dma_wait3A_100 = tpu.memref_squeeze %dma_wait3A_99 : memref<1x96xi32, #tpu.memory_space<vmem>> -> memref<96xi32, #tpu.memory_space<vmem>>
    %dma_wait3A_101 = arith.constant 0 : i32
    %dma_wait3A_102 = arith.constant 0 : i32
    %dma_wait3A_103 = tpu.memref_slice %arg3[%dma_wait3A_101, %dma_wait3A_102] : memref<100000x128xf32, #tpu.memory_space<hbm>> -> memref<100000x128xf32, #tpu.memory_space<hbm>>
    tpu.wait_indirect_dma semaphore(%arg11 : memref<!tpu.dma_semaphore, #tpu.memory_space<semaphore_mem>>) src(%dma_wait3A_103 : memref<100000x128xf32, #tpu.memory_space<hbm>>) dst(%dma_wait3A_97 : memref<96x128xf32, #tpu.memory_space<vmem>>)
    %add3A_104 = arith.constant 127 : i32
    %add3A_105 = arith.addi %mul3A_2, %add3A_104 : i32
    %dma_start3A_106 = arith.constant 0 : i32
    %dma_start3A_107 = arith.constant 0 : i32
    %dma_start3A_108 = tpu.memref_slice %arg4[%add3A_105, %dma_start3A_106, %dma_start3A_107] : memref<4096x200x128xf32, #tpu.memory_space<hbm>> -> memref<1x200x128xf32, #tpu.memory_space<hbm>>
    %dma_start3A_109 = tpu.memref_squeeze %dma_start3A_108 : memref<1x200x128xf32, #tpu.memory_space<hbm>> -> memref<200x128xf32, #tpu.memory_space<hbm>>
    %dma_start3A_110 = arith.constant 0 : i32
    %dma_start3A_111 = arith.constant 0 : i32
    %dma_start3A_112 = tpu.memref_slice %arg4[%add3A_105, %dma_start3A_110, %dma_start3A_111] : memref<4096x200x128xf32, #tpu.memory_space<hbm>> -> memref<1x200x128xf32, #tpu.memory_space<hbm>>
    %dma_start3A_113 = tpu.memref_squeeze %dma_start3A_112 : memref<1x200x128xf32, #tpu.memory_space<hbm>> -> memref<200x128xf32, #tpu.memory_space<hbm>>
    tpu.enqueue_dma source(%arg8 : memref<200x128xf32, #tpu.memory_space<vmem>>) target(%dma_start3A_113 : memref<200x128xf32, #tpu.memory_space<hbm>>) target_semaphore(%arg14 : memref<!tpu.dma_semaphore, #tpu.memory_space<semaphore_mem>>)
    %add3A_114 = arith.constant 125 : i32
    %add3A_115 = arith.addi %mul3A_2, %add3A_114 : i32
    %dma_wait3A_116 = arith.constant 0 : i32
    %dma_wait3A_117 = arith.constant 0 : i32
    %dma_wait3A_118 = tpu.memref_slice %arg4[%add3A_115, %dma_wait3A_116, %dma_wait3A_117] : memref<4096x200x128xf32, #tpu.memory_space<hbm>> -> memref<1x200x128xf32, #tpu.memory_space<hbm>>
    %dma_wait3A_119 = tpu.memref_squeeze %dma_wait3A_118 : memref<1x200x128xf32, #tpu.memory_space<hbm>> -> memref<200x128xf32, #tpu.memory_space<hbm>>
    %dma_wait3A_120 = arith.constant 0 : i32
    %dma_wait3A_121 = arith.constant 0 : i32
    %dma_wait3A_122 = tpu.memref_slice %arg4[%add3A_115, %dma_wait3A_120, %dma_wait3A_121] : memref<4096x200x128xf32, #tpu.memory_space<hbm>> -> memref<1x200x128xf32, #tpu.memory_space<hbm>>
    %dma_wait3A_123 = tpu.memref_squeeze %dma_wait3A_122 : memref<1x200x128xf32, #tpu.memory_space<hbm>> -> memref<200x128xf32, #tpu.memory_space<hbm>>
    tpu.wait_dma2 semaphore(%arg15 : memref<!tpu.dma_semaphore, #tpu.memory_space<semaphore_mem>>) src(%arg9 : memref<200x128xf32, #tpu.memory_space<vmem>>) dst(%dma_wait3A_123 : memref<200x128xf32, #tpu.memory_space<hbm>>)
    %add3A_124 = arith.constant 126 : i32
    %add3A_125 = arith.addi %mul3A_2, %add3A_124 : i32
    %dma_wait3A_126 = arith.constant 0 : i32
    %dma_wait3A_127 = arith.constant 0 : i32
    %dma_wait3A_128 = tpu.memref_slice %arg4[%add3A_125, %dma_wait3A_126, %dma_wait3A_127] : memref<4096x200x128xf32, #tpu.memory_space<hbm>> -> memref<1x200x128xf32, #tpu.memory_space<hbm>>
    %dma_wait3A_129 = tpu.memref_squeeze %dma_wait3A_128 : memref<1x200x128xf32, #tpu.memory_space<hbm>> -> memref<200x128xf32, #tpu.memory_space<hbm>>
    %dma_wait3A_130 = arith.constant 0 : i32
    %dma_wait3A_131 = arith.constant 0 : i32
    %dma_wait3A_132 = tpu.memref_slice %arg4[%add3A_125, %dma_wait3A_130, %dma_wait3A_131] : memref<4096x200x128xf32, #tpu.memory_space<hbm>> -> memref<1x200x128xf32, #tpu.memory_space<hbm>>
    %dma_wait3A_133 = tpu.memref_squeeze %dma_wait3A_132 : memref<1x200x128xf32, #tpu.memory_space<hbm>> -> memref<200x128xf32, #tpu.memory_space<hbm>>
    tpu.wait_dma2 semaphore(%arg13 : memref<!tpu.dma_semaphore, #tpu.memory_space<semaphore_mem>>) src(%arg7 : memref<200x128xf32, #tpu.memory_space<vmem>>) dst(%dma_wait3A_133 : memref<200x128xf32, #tpu.memory_space<hbm>>)
    %add3A_134 = arith.constant 127 : i32
    %add3A_135 = arith.addi %mul3A_2, %add3A_134 : i32
    %dma_wait3A_136 = arith.constant 0 : i32
    %dma_wait3A_137 = arith.constant 0 : i32
    %dma_wait3A_138 = tpu.memref_slice %arg4[%add3A_135, %dma_wait3A_136, %dma_wait3A_137] : memref<4096x200x128xf32, #tpu.memory_space<hbm>> -> memref<1x200x128xf32, #tpu.memory_space<hbm>>
    %dma_wait3A_139 = tpu.memref_squeeze %dma_wait3A_138 : memref<1x200x128xf32, #tpu.memory_space<hbm>> -> memref<200x128xf32, #tpu.memory_space<hbm>>
    %dma_wait3A_140 = arith.constant 0 : i32
    %dma_wait3A_141 = arith.constant 0 : i32
    %dma_wait3A_142 = tpu.memref_slice %arg4[%add3A_135, %dma_wait3A_140, %dma_wait3A_141] : memref<4096x200x128xf32, #tpu.memory_space<hbm>> -> memref<1x200x128xf32, #tpu.memory_space<hbm>>
    %dma_wait3A_143 = tpu.memref_squeeze %dma_wait3A_142 : memref<1x200x128xf32, #tpu.memory_space<hbm>> -> memref<200x128xf32, #tpu.memory_space<hbm>>
    tpu.wait_dma2 semaphore(%arg14 : memref<!tpu.dma_semaphore, #tpu.memory_space<semaphore_mem>>) src(%arg8 : memref<200x128xf32, #tpu.memory_space<vmem>>) dst(%dma_wait3A_143 : memref<200x128xf32, #tpu.memory_space<hbm>>)
    return
  }
}

</mosaic_0001>

<sc_bundles>
// kernel: kernel.3.cloned.1.call-start
scs
__scs_entry_jumppad:
0x0: {  	(pc) =	sbr.rel $0x88, $3  }
0x1: {  	(tag) =	ssettag $0x0;
	lr =	simm.s32 $0x1  }
0x2: {  	[smem:$0x3F9F] =	sst lr;
	_ =	strace $0xD0000000  }
0x3: {  	_ = 	snop  }
0x4: {  	_ = 	snop  }
0x5: {  	_ = 	snop  }
0x6: {  	_ = 	snop  }
0x7: {  	_ = 	snop  }
__scs_overlays_trampoline_lowered:
0x8: {  	[smem:$0x3FAE] =	sst s0  }
0x9: {  	[smem:$0x3FAF] =	sst s1  }
0xa: {  	[smem:$0x3FB0] =	sst s2  }
0xb: {  	[smem:$0x3FB1] =	sst s3  }
0xc: {  	[smem:$0x3FB2] =	sst s4  }
0xd: {  	[smem:$0x3FB3] =	sst s5  }
0xe: {  	[smem:$0x3FB4] =	sst s6  }
0xf: {  	[smem:$0x3FB5] =	sst s7  }
0x10: {  	[smem:$0x3FB6] =	sst s8  }
0x11: {  	[smem:$0x3FB7] =	sst s9;
	s0 =	simm.s32 @!p0 $0x0  }
0x12: {  	s1 =	sld [smem:$0x3F9D];
	s0 =	simm.s32 @p0 $0x1  }
0x13: {  	[smem:$0x3FB8] =	sst s0;
	s0 =	simm.s32 @!p1 $0x0  }
0x14: {  	s2 =	sld [smem:$0x3F9C];
	s0 =	simm.s32 @p1 $0x1  }
0x15: {  	[smem:$0x3FB9] =	sst s0;
	s0 =	simm.s32 @!p2 $0x0  }
0x16: {  	s3 =	sld [smem:$0x3FDB];
	s0 =	simm.s32 @p2 $0x1  }
0x17: {  	s4 =	simm.s32 $0x1BF5;
	[smem:$0x3FBB] =	sst s0  }
0x18: {  	s0 =	sld [smem:$0x3F9E];
	_ =	swait.ge [sflag:s4], $0x0  }
0x19: {  	s7 =	sld [smem:$0x3F9F]  }
0x1a: {  	s8 =	sadd.s32 $0xFFFFE003, lr  }
0x1b: {  	s9 =	sadd.s32 $0xFFFFFEF7, lr;
	s5 =	simm.s32 $0xFFFFFFFF;
	p2 =	slt.u32 s8, $0xFFFFF086  }
0x1c: {  	p1 =	slt.u32 s9, $0xF7A;
	s5 =	simm.s32 @!p2 $0x0  }
0x1d: {  	s5 =	simm.s32 @p1 $0x1;
	p0 =	seq.s32 s7, s2  }
0x1e: {  	s7 =	smul.u32 @!p0 $0xF7A, s2;
	p2 =	seq.s32 @!p0 s5, $0x0  }
0x1f: {  	s9 =	smul.u32 $0xF7A, s1;
	s8 =	simm.s32 @!p0 $0x1BF5;
	p2 =	por !p2, p0  }
0x20: {  	[sflag:s8] =	ssyncset.s32 @!p0 $0xFFFFF086;
	s6 =	sadd.s32 @!p0 s3, s7;
	s7 =	simm.s32 @!p0 $0x108  }
0x21: {  	s3 =	sadd.s32 s3, s9;
	s6 =	sadd.s32 @!p0 $0x88, s6;
	s7 =	simm.s32 @p2 $0x1082  }
0x22: {  	[simem:s7], [sflag:s8] =	dma.local @!p0 [hbm:s6], $0xF7A  }
0x23: {  	s9 =	sor.u32 $0xD0000000, s2;
	s6 =	simm.s32 $0x108;
	_ =	swait.ge @!p0 [sflag:s8], $0x0  }
0x24: {  	s3 =	sadd.s32 $0x88, s3;
	s6 =	simm.s32 @!p1 $0x1082;
	[sflag:s4] =	ssyncset.s32 $0xFFFFF086  }
0x25: {  	[simem:s6], [sflag:s4] =	dma.local [hbm:s3], $0xF7A  }
0x26: {  	[smem:$0x3F9F] =	sst s1;
	(tag) =	ssettag s2;
	_ =	strace s9  }
0x27: {  	s1 =	sld [smem:$0x3FAF]  }
0x28: {  	s2 =	sld [smem:$0x3FB0]  }
0x29: {  	s4 =	sld [smem:$0x3FB2]  }
0x2a: {  	p0 =	seq.s32 s5, $0x0;
	s5 =	sld [smem:$0x3FB3]  }
0x2b: {  	s6 =	sld [smem:$0x3FB4]  }
0x2c: {  	s7 =	sld [smem:$0x3FB5]  }
0x2d: {  	s3 =	simm.s32 $0x108;
	s8 =	sld [smem:$0x3FB6]  }
0x2e: {  	s3 =	simm.s32 @!p0 $0x1082;
	s9 =	sld [smem:$0x3FB7]  }
0x2f: {  	lr =	sadd.s32 s0, s3;
	s0 =	sld [smem:$0x3FAE]  }
0x30: {  	s3 =	sld [smem:$0x3FB1]  }
0x31: {  	[smem:$0x3FBA] =	sst s10  }
0x32: {  	s10 =	sld [smem:$0x3FB8];
	_ =	sdelay $0x3  }
0x33: {  	p0 =	seq.s32 s10, $0x1;
	s10 =	sld [smem:$0x3FBA];
	_ =	sdelay $0x3  }
0x34: {  	[smem:$0x3FBA] =	sst s10  }
0x35: {  	s10 =	sld [smem:$0x3FB9];
	_ =	sdelay $0x3  }
0x36: {  	p1 =	seq.s32 s10, $0x1;
	s10 =	sld [smem:$0x3FBA];
	_ =	sdelay $0x3  }
0x37: {  	[smem:$0x3FBA] =	sst s10  }
0x38: {  	s10 =	sld [smem:$0x3FBB]  }
0x39: {  	_ = 	snop;
	(pc) =	sbr.ind lr, $3  }
0x3a: {  	_ = 	snop  }
0x3b: {  	_ = 	snop  }
0x3c: {  	p2 =	seq.s32 s10, $0x1;
	s10 =	sld [smem:$0x3FBA]  }
0x3d: {  	_ =	shalt  }
0x3e: {  	_ =	shalt  }
0x3f: {  	_ =	shalt  }
0x40: {  	_ =	shalt  }
0x41: {  	_ =	shalt  }
0x42: {  	_ =	shalt  }
0x43: {  	_ =	shalt  }
0x44: {  	_ =	shalt  }
0x45: {  	_ =	shalt  }
0x46: {  	_ =	shalt  }
0x47: {  	_ =	shalt  }
0x48: {  	_ =	shalt  }
0x49: {  	_ =	shalt  }
0x4a: {  	_ =	shalt  }
0x4b: {  	_ =	shalt  }
0x4c: {  	_ =	shalt  }
0x4d: {  	_ =	shalt  }
0x4e: {  	_ =	shalt  }
0x4f: {  	_ =	shalt  }
0x50: {  	_ =	shalt  }
0x51: {  	_ =	shalt  }
0x52: {  	_ =	shalt  }
0x53: {  	_ =	shalt  }
0x54: {  	_ =	shalt  }
0x55: {  	_ =	shalt  }
0x56: {  	_ =	shalt  }
0x57: {  	_ =	shalt  }
0x58: {  	_ =	shalt  }
0x59: {  	_ =	shalt  }
0x5a: {  	_ =	shalt  }
0x5b: {  	_ =	shalt  }
0x5c: {  	_ =	shalt  }
0x5d: {  	_ =	shalt  }
0x5e: {  	_ =	shalt  }
0x5f: {  	_ =	shalt  }
0x60: {  	_ =	shalt  }
0x61: {  	_ =	shalt  }
0x62: {  	_ =	shalt  }
0x63: {  	_ =	shalt  }
0x64: {  	_ =	shalt  }
0x65: {  	_ =	shalt  }
0x66: {  	_ =	shalt  }
0x67: {  	_ =	shalt  }
0x68: {  	_ =	shalt  }
0x69: {  	_ =	shalt  }
0x6a: {  	_ =	shalt  }
0x6b: {  	_ =	shalt  }
0x6c: {  	_ =	shalt  }
0x6d: {  	_ =	shalt  }
0x6e: {  	_ =	shalt  }
0x6f: {  	_ =	shalt  }
0x70: {  	_ =	shalt  }
0x71: {  	_ =	shalt  }
0x72: {  	_ =	shalt  }
0x73: {  	_ =	shalt  }
0x74: {  	_ =	shalt  }
0x75: {  	_ =	shalt  }
0x76: {  	_ =	shalt  }
0x77: {  	_ =	shalt  }
0x78: {  	_ =	shalt  }
0x79: {  	_ =	shalt  }
0x7a: {  	_ =	shalt  }
0x7b: {  	_ =	shalt  }
0x7c: {  	_ =	shalt  }
0x7d: {  	_ =	shalt  }
0x7e: {  	_ =	shalt  }
0x7f: {  	_ =	shalt  }
0x80: {  	_ =	shalt  }
0x81: {  	_ =	shalt  }
0x82: {  	_ =	shalt  }
0x83: {  	_ =	shalt  }
0x84: {  	_ =	shalt  }
0x85: {  	_ =	shalt  }
0x86: {  	_ =	shalt  }
0x87: {  	_ =	shalt  }
.Lfunc_end0:
.L_simem_size_0:
called_computation_lowered:
.L_overlay_start_0:
0x88: {  	s2 =	sld [smem:$0x3FD9]  }
0x89: {  	s3 =	sld [smem:$0x3FFE];
	_ =	sdelay $0x1  }
0x8a: {  	s1 =	srdreg.scid  }
0x8b: {  	s0 =	sand.u32 $0x1, s1  }
0x8c: {  	s17 =	sshll.u32 s0, $0xA;
	s2 =	sadd.s32 s3, s2  }
0x8d: {  	s2 =	sadd.s32 s2, s17  }
0x8e: {  	[smem:$0x3FC6] =	sst s2  }
0x8f: {  	_ = 	snop  }
0x90: {  	s2 =	sld [smem:$0x3FC8]  }
0x91: {  	s18 =	sld [smem:$0x3FD0];
	(tm) =	ssettm $0x1  }
0x92: {  	s4 =	sld [smem:$0x3FFB];
	_ =	sdelay $0x3  }
0x93: {  	_ =	strace s4  }
0x94: {  	s4 =	sld [smem:$0x3FFC];
	_ =	sdelay $0x3  }
0x95: {  	_ =	strace s4  }
0x96: {  	s4 =	sld [smem:$0x3FFD];
	_ =	sdelay $0x3  }
0x97: {  	_ =	strace s4  }
0x98: {  	_ =	strace $0x8FFFFFFF  }
0x99: {  	s19 =	sld [smem:$0x3FDB];
	_ =	sdelay $0x1  }
0x9a: {  	s5 =	simm.s32 $_scs_section_size  }
0x9b: {  	s6 =	simm.s32 $_size__tile_overlayer_lowered;
	s7 =	simm.s32 $_tile_overlayer_lowered  }
0x9c: {  	s22 =	simm.s32 $0x1BFF;
	s21 =	sshll.u32 s7, $0x1;
	s4 =	sadd.s32 s5, s19  }
0x9d: {  	s8 =	simm.s32 $0x0;
	s20 =	sshll.u32 s6, $0x1;
	s6 =	sadd.s32 s21, s4  }
0x9e: {  	[timem:s8], [sflag:s22] =	dma.local [hbm:s6], s20  }
0x9f: {  	_ =	swait.ge [sflag:s22], s20  }
0xa0: {  	s5 =	ssub.s32 $0x0, s20;
	[sflag:s22] =	ssyncset.done $0x0  }
0xa1: {  	[sflag:s22] =	ssyncadd.s32 s5;
	_ =	sdelay $0x1  }
0xa2: {  	s23 =	simm.s32 $0x1B8B  }
0xa3: {  	_ =	swait.ge [sflag:s23], $0x1  }
0xa4: {  	[sflag:s23] =	ssyncset.done $0x0  }
0xa5: {  	s25 =	simm.s32 $0x1B8E;
	s24 =	sld [smem:$0x3FFE];
	[sflag:s23] =	ssyncadd.s32 $0xFFFFFFFF  }
0xa6: {  	s26 =	simm.s32 $execute0_lowered;
	[smem:$0x3FD2] =	sst s25  }
0xa7: {  	s6 =	sshll.u32 s26, $0x1;
	_ =	strace $0x80000046;
	[dreg:$0x1] =	wrdreg $0xFFFFFFFF  }
0xa8: {  	s28 =	simm.s32 $_size_execute0_lowered;
	s4 =	sadd.s32 s4, s6;
	[dreg:$0x0] =	wrdreg $0x0  }
0xa9: {  	s6 =	sshll.u32 s28, $0x1;
	[dreg:$0x2] =	wrdreg s4  }
0xaa: {  	[dreg:$0x3] =	wrdreg s6  }
0xab: {  	[dreg:$0x4] =	wrdreg $0xC0  }
0xac: {  	_ =	task [dreg:s8], $0x5FFFF  }
0xad: {  	[dreg:$0x1] =	wrdreg $0xFFFFFFFF  }
0xae: {  	[dreg:$0x0] =	wrdreg $0x60  }
0xaf: {  	[dreg:$0x2] =	wrdreg s24  }
0xb0: {  	[dreg:$0x3] =	wrdreg s2  }
0xb1: {  	[dreg:$0x4] =	wrdreg s18  }
0xb2: {  	[dreg:$0x5] =	wrdreg $0x9  }
0xb3: {  	_ =	task.clear_ibuf [dreg:s8], $0x6FFFF;
	_ =	strace $0x90000046  }
0xb4: {  	s29 =	simm.s32 $0x9;
	_ =	strace $0x80000048  }
0xb5: {  	_ =	swait.ge [sflag:s29], $0x1  }
0xb6: {  	[sflag:s29] =	ssyncadd.s32 $0xFFFFFFFF  }
0xb7: {  	_ =	strace $0x90000048  }
0xb8: {  	_ =	sfence  }
0xb9: {  	s30 =	sld [smem:$0x0];
	_ =	sdelay $0x2  }
0xba: {  	s31 =	sshll.u32 s1, $0xD;
	s1 =	sshrl.u32 s1, $0x2  }
0xbb: {  	s3 =	sand.u32 $0x4000, s31;
	s1 =	sadd.s32 s1, s30  }
0xbc: {  	s0 =	sor.u32 s3, s0;
	s1 =	sshll.u32 s1, $0x11  }
0xbd: {  	s0 =	sor.u32 s1, s0  }
0xbe: {  	s0 =	sadd.s32 $0x8F2B, s0  }
0xbf: {  	[sflag:s0] =	ssyncadd.remote.s32 $0x1  }
0xc0: {  	_ =	sfence.sel $0xFFFF  }
0xc1: {  	[dreg:$0x0] =	wrdreg $0xFFFFFFFF;
	(pc) =	sbr.abs _section_cstart, $3  }
0xc2: {  	[dreg:$0x1] =	wrdreg $0xFFFFFFFF  }
0xc3: {  	_ =	task.clear_ibuf [dreg:s8], $0x2FFFF;
	_ =	strace $0x9FFFFFFF  }
0xc4: {  	(tm) =	ssettm $0x7FFFFFFF  }
0xc5: {  	_ =	shalt  }
tec
execute0_lowered:
.L_overlay_start_1:
0x0: {  	(tag) =	ssettag $0x1  }
0x1: {  	s0 =	rddreg [dreg:$0x0]  }
0x2: {  	s1 =	srdreg.scid;
	s2 =	rddreg [dreg:$0x1]  }
0x3: {  	s11 =	stileid.u32;
	s4 =	rddreg [dreg:$0x2]  }
0x4: {  	s3 =	simm.s32 $0x0;
	s14 =	simm.s32 $0x7;
	s15 =	simm.s32 $0x6400  }
0x5: {  	s16 =	simm.s32 $0x68;
	s17 =	simm.s32 $0xC800;
	s18 =	simm.s32 $0x60  }
0x6: {  	s20 =	simm.s32 $0xFC00;
	s28 =	simm.s32 $0x19000;
	s30 =	simm.s32 $0x1C400  }
0x7: {  	s31 =	simm.s32 $0x2;
	s13 =	simm.s32 $0x3;
	s19 =	simm.s32 $0x5  }
0x8: {  	s29 =	simm.s32 $0x6;
	s1 =	sand.u32 $0x1, s1;
	s5 =	sshll.u32 s11, $0x8  }
0x9: {  	[smem:$0x7FF] =	sst s3;
	s22 =	smul.u32 $0xC8000, s11;
	s6 =	sshll.u32 s1, $0x7  }
0xa: {  	_ =	strace $0x80000047;
	s7 =	ssub.s32 $0x2, s1;
	s24 =	smul.u32 $0x64000, s1  }
0xb: {  	v13 =	vlaneseq.u32;
	v6 =	vimm.s32 $0x6380;
	s1 =	simm.s32 $0x4;
	s5 =	sor.u32 s6, s5;
	s9 =	sshrl.u32 s7, $0x1  }
0xc: {  	vm0 =	vcmask $0x300;
	vm10 =	vcmask $0x704;
	vm11 =	vcmask $0xB08;
	s26 =	sadd.s32 s22, s4;
	s22 =	simm.s32 $0x12C00;
	s21 =	smul.u32 $0x6400, s5  }
0xd: {  	vm12 =	vcmask $0xF0C;
	vm13 =	vcmask $0x1310;
	v0 =	vmul.u32 $0x80, v13;
	s6 =	sshrl.u32 s5, $0x3;
	s8 =	sor.u32 $0x1, s5;
	s5 =	smul.u32 $0xC80, s5  }
0xe: {  	vm14 =	vcmask $0x1714;
	vm15 =	vcmask $0x1B18;
	v7 =	vsel vm0, $0x6000, v6;
	s7 =	ssub.s32 s7, s9;
	s0 =	sadd.s32 s6, s0;
	s10 =	smul.u32 $0xC80, s8  }
0xf: {  	v13 =	vor.u32 $0xC0, v13;
	v8 =	vsel vm10, $0x6080, v7;
	v1 =	vor.u32 $0x800, v0;
	s7 =	smax.u32 s7, $0x1;
	s6 =	sshrl.u32 s21, $0x3;
	s0 =	sadd.s32 $0x400, s0  }
0x10: {  	v2 =	vor.u32 $0x1000, v0;
	v3 =	vor.u32 $0x1800, v0;
	v9 =	vsel vm11, $0x6100, v8;
	s8 =	sadd.s32 s4, s5;
	s21 =	simm.s32 $0x64C8;
	s6 =	sadd.s32 s4, s6  }
0x11: {  	v4 =	vor.u32 $0x2000, v0;
	v5 =	vor.u32 $0x2800, v0;
	v10 =	vsel vm12, $0x6180, v9;
	[dreg:$0x4] =	wrdreg s0;
	s9 =	sadd.s32 s4, s10;
	s0 =	sadd.s32 s24, s26  }
0x12: {  	v6 =	vor.u32 $0x3000, v0;
	v7 =	vor.u32 $0x3800, v0;
	v11 =	vsel vm13, $0x6200, v10;
	s10 =	sadd.s32 $0x1900, s8;
	s24 =	simm.s32 $0x16000;
	s23 =	sadd.s32 $0x62700, s6  }
0x13: {  	v8 =	vor.u32 $0x4000, v0;
	v9 =	vor.u32 $0x4800, v0;
	v12 =	vsel vm14, $0x6280, v11;
	s25 =	sadd.s32 $0x63380, s6;
	s11 =	sadd.s32 $0x2580, s0;
	[dreg:$0x5] =	wrdreg s23  }
0x14: {  	v10 =	vor.u32 $0x5000, v0;
	v11 =	vor.u32 $0x5800, v0;
	v12 =	vsel vm15, $0x6300, v12;
	s0 =	simm.s32 $0x0;
	[dreg:$0x6] =	wrdreg s25;
	s25 =	simm.s32 $0x1  }
.LBB2_1:
0x15: {  	s4 =	simm.s32 $0x1  }
0x16: {  	v27 =	vmov s4  }
0x17: {  	v24 =	vmov s3;
	v28 =	vand.u32 $0x7F, v27  }
0x18: {  	s12 =	rddreg [dreg:$0x4];
	s5 =	simm.s32 $0x80;
	s6 =	simm.s32 $0x1000;
	v29 =	vand.u32 $0x7E, v24;
	v14 =	vor.u32 v0, v28  }
0x19: {  	[tilespmem:s3], [sflag:$0x7] =	stream.strided.gather [hbm4b:s12+s5], $0x6400, s6, s5, $0x38;
	v15 =	vor.u32 v0, v29;
	[tilespmem:$0x1F400] =	vst v63  }
0x1a: {  	_ =	swait.ge [sflag:s14], $0x6400  }
0x1b: {  	[sflag:s14] =	ssyncset.done $0x0  }
0x1c: {  	[sflag:s14] =	ssyncadd.s32 $0xFFFF9C00  }
0x1d: {  	v14 =	vld.idx.msk [tilespmem:v14+s3+$0x0], $0xffff  }
0x1e: {  	v16 =	vor.u32 v1, v28;
	v15 =	vld.idx.msk [tilespmem:v15+s3+$0x0], $0xffff  }
0x1f: {  	v17 =	vor.u32 v1, v29;
	_ =	sdelay $0x2  }
0x20: {  	[tilespmem:s21+$0x0] =	vst v14  }
0x21: {  	[tilespmem:s21+$0xFFFFFF38] =	vst v15;
	v14 =	vld.idx.msk [tilespmem:v16+s3+$0x0], $0xffff  }
0x22: {  	v15 =	vld.idx.msk [tilespmem:v17+s3+$0x0], $0xffff;
	v16 =	vor.u32 v2, v28  }
0x23: {  	v17 =	vor.u32 v2, v29;
	_ =	sdelay $0x2  }
0x24: {  	[tilespmem:s21+$0x10] =	vst v14  }
0x25: {  	[tilespmem:s21+$0xFFFFFF48] =	vst v15;
	v16 =	vld.idx.msk [tilespmem:v16+s3+$0x0], $0xffff  }
0x26: {  	v18 =	vor.u32 v3, v28;
	v17 =	vld.idx.msk [tilespmem:v17+s3+$0x0], $0xffff  }
0x27: {  	s23 =	simm.s32 $0x3;
	v19 =	vor.u32 v3, v29  }
0x28: {  	s26 =	simm.s32 $0x2;
	v21 =	vmov s23  }
0x29: {  	v23 =	vand.u32 $0x7F, v21;
	v14 =	vmov s26  }
0x2a: {  	v15 =	vand.u32 $0x7E, v14;
	[tilespmem:s21+$0x20] =	vst v16;
	v16 =	vor.u32 v0, v23  }
0x2b: {  	v20 =	vor.u32 v0, v15;
	[tilespmem:s21+$0xFFFFFF58] =	vst v17;
	v17 =	vld.idx.msk [tilespmem:v18+s3+$0x0], $0xffff  }
0x2c: {  	v18 =	vld.idx.msk [tilespmem:v19+s3+$0x0], $0xffff;
	v19 =	vor.u32 v4, v28  }
0x2d: {  	v22 =	vor.u32 v4, v29;
	_ =	sdelay $0x1  }
0x2e: {  	v16 =	vld.idx.msk [tilespmem:v16+s3+$0x0], $0xffff  }
0x2f: {  	v20 =	vld.idx.msk [tilespmem:v20+s3+$0x0], $0xffff;
	[tilespmem:s21+$0x30] =	vst v17;
	v17 =	vor.u32 v1, v23  }
0x30: {  	[tilespmem:s21+$0xFFFFFF68] =	vst v18;
	v18 =	vld.idx.msk [tilespmem:v19+s3+$0x0], $0xffff;
	v19 =	vor.u32 v1, v15  }
0x31: {  	v25 =	vor.u32 v5, v28;
	v22 =	vld.idx.msk [tilespmem:v22+s3+$0x0], $0xffff  }
0x32: {  	v26 =	vor.u32 v5, v29;
	s26 =	simm.s32 $0x6658  }
0x33: {  	[tilespmem:s26+$0x0] =	vst v16  }
0x34: {  	[tilespmem:s26+$0xFFFFFF38] =	vst v20;
	v16 =	vld.idx.msk [tilespmem:v17+s3+$0x0], $0xffff  }
0x35: {  	v17 =	vld.idx.msk [tilespmem:v19+s3+$0x0], $0xffff;
	[tilespmem:s21+$0x40] =	vst v18;
	v18 =	vor.u32 v2, v23  }
0x36: {  	v20 =	vor.u32 v2, v15;
	[tilespmem:s21+$0xFFFFFF78] =	vst v22;
	v19 =	vld.idx.msk [tilespmem:v25+s3+$0x0], $0xffff  }
0x37: {  	v22 =	vld.idx.msk [tilespmem:v26+s3+$0x0], $0xffff;
	v25 =	vor.u32 v6, v28;
	_ =	sdelay $0x1  }
0x38: {  	v26 =	vor.u32 v6, v29;
	[tilespmem:s26+$0x10] =	vst v16  }
0x39: {  	s12 =	simm.s32 $0x4;
	[tilespmem:s26+$0xFFFFFF48] =	vst v17;
	v30 =	vld.idx.msk [tilespmem:v18+s3+$0x0], $0xffff  }
0x3a: {  	v31 =	vor.u32 v3, v23;
	v17 =	vmov s12;
	v20 =	vld.idx.msk [tilespmem:v20+s3+$0x0], $0xffff;
	[tilespmem:s21+$0x50] =	vst v19  }
0x3b: {  	[tilespmem:s21+$0xFFFFFF88] =	vst v22;
	v18 =	vand.u32 $0x7E, v17;
	v22 =	vld.idx.msk [tilespmem:v25+s3+$0x0], $0xffff;
	v25 =	vor.u32 v3, v15  }
0x3c: {  	v34 =	vor.u32 v0, v18  }
0x3d: {  	s6 =	simm.s32 $0x5;
	v32 =	vor.u32 v7, v28;
	v26 =	vld.idx.msk [tilespmem:v26+s3+$0x0], $0xffff  }
0x3e: {  	v16 =	vmov s6;
	[tilespmem:s26+$0x20] =	vst v30  }
0x3f: {  	v33 =	vor.u32 v7, v29;
	v19 =	vand.u32 $0x7F, v16;
	[tilespmem:s26+$0xFFFFFF58] =	vst v20;
	v20 =	vld.idx.msk [tilespmem:v31+s3+$0x0], $0xffff  }
0x40: {  	v30 =	vor.u32 v0, v19;
	v25 =	vld.idx.msk [tilespmem:v25+s3+$0x0], $0xffff  }
0x41: {  	[tilespmem:s21+$0x60] =	vst v22;
	v22 =	vor.u32 v4, v23;
	v34 =	vld.idx.msk [tilespmem:v34+s3+$0x0], $0xffff  }
0x42: {  	v31 =	vor.u32 v4, v15;
	[tilespmem:s21+$0xFFFFFF98] =	vst v26;
	v26 =	vld.idx.msk [tilespmem:v32+s3+$0x0], $0xffff  }
0x43: {  	v37 =	vor.u32 v1, v18  }
0x44: {  	v53 =	vor.u32 v8, v28;
	v52 =	vld.idx.msk [tilespmem:v33+s3+$0x0], $0xffff;
	[tilespmem:s26+$0x30] =	vst v20  }
0x45: {  	s23 =	simm.s32 $0x6;
	v35 =	vor.u32 v8, v29;
	s12 =	simm.s32 $0x67E8;
	v30 =	vld.idx.msk [tilespmem:v30+s3+$0x0], $0xffff;
	[tilespmem:s26+$0xFFFFFF68] =	vst v25  }
0x46: {  	v36 =	vor.u32 v1, v19;
	v20 =	vmov s23;
	v25 =	vld.idx.msk [tilespmem:v22+s3+$0x0], $0xffff;
	[tilespmem:s12+$0xFFFFFF38] =	vst v34  }
0x47: {  	v22 =	vand.u32 $0x7E, v20;
	v31 =	vld.idx.msk [tilespmem:v31+s3+$0x0], $0xffff;
	[tilespmem:s21+$0x70] =	vst v26;
	v26 =	vor.u32 v5, v23  }
0x48: {  	v38 =	vor.u32 v0, v22;
	v37 =	vld.idx.msk [tilespmem:v37+s3+$0x0], $0xffff  }
0x49: {  	v55 =	vor.u32 v5, v15;
	[tilespmem:s21+$0xFFFFFFA8] =	vst v52;
	v54 =	vld.idx.msk [tilespmem:v53+s3+$0x0], $0xffff  }
0x4a: {  	v35 =	vld.idx.msk [tilespmem:v35+s3+$0x0], $0xffff;
	[tilespmem:s12+$0x0] =	vst v30;
	v30 =	vor.u32 v9, v28  }
0x4b: {  	v57 =	vor.u32 v9, v29;
	v56 =	vld.idx.msk [tilespmem:v36+s3+$0x0], $0xffff;
	[tilespmem:s26+$0x40] =	vst v25  }
0x4c: {  	v25 =	vor.u32 v2, v19;
	[tilespmem:s26+$0xFFFFFF78] =	vst v31;
	v26 =	vld.idx.msk [tilespmem:v26+s3+$0x0], $0xffff  }
0x4d: {  	v31 =	vor.u32 v2, v18;
	v38 =	vld.idx.msk [tilespmem:v38+s3+$0x0], $0xffff;
	[tilespmem:s12+$0xFFFFFF48] =	vst v37  }
0x4e: {  	v58 =	vor.u32 v6, v23;
	v33 =	vld.idx.msk [tilespmem:v55+s3+$0x0], $0xffff;
	[tilespmem:s21+$0x80] =	vst v54  }
0x4f: {  	v59 =	vor.u32 v6, v15;
	[tilespmem:s21+$0xFFFFFFB8] =	vst v35;
	v30 =	vld.idx.msk [tilespmem:v30+s3+$0x0], $0xffff  }
0x50: {  	v60 =	vor.u32 v10, v28;
	v36 =	vld.idx.msk [tilespmem:v57+s3+$0x0], $0xffff;
	[tilespmem:s12+$0x10] =	vst v56  }
0x51: {  	v39 =	vor.u32 v10, v29;
	s23 =	simm.s32 $0x6978;
	v61 =	vld.idx.msk [tilespmem:v25+s3+$0x0], $0xffff;
	[tilespmem:s26+$0x50] =	vst v26  }
0x52: {  	s5 =	simm.s32 $0x7;
	v40 =	vor.u32 v3, v19;
	v31 =	vld.idx.msk [tilespmem:v31+s3+$0x0], $0xffff;
	[tilespmem:s23+$0xFFFFFF38] =	vst v38  }
0x53: {  	v53 =	vor.u32 v1, v22;
	v25 =	vmov s5;
	[tilespmem:s26+$0xFFFFFF88] =	vst v33;
	v32 =	vld.idx.msk [tilespmem:v58+s3+$0x0], $0xffff  }
0x54: {  	v62 =	vor.u32 v3, v18;
	v26 =	vand.u32 $0x7F, v25;
	v35 =	vld.idx.msk [tilespmem:v59+s3+$0x0], $0xffff;
	[tilespmem:s21+$0x90] =	vst v30  }
0x55: {  	v41 =	vor.u32 v0, v26;
	[tilespmem:s21+$0xFFFFFFC8] =	vst v36;
	v34 =	vld.idx.msk [tilespmem:v60+s3+$0x0], $0xffff  }
0x56: {  	v30 =	vor.u32 v7, v23;
	v39 =	vld.idx.msk [tilespmem:v39+s3+$0x0], $0xffff;
	[tilespmem:s12+$0x20] =	vst v61  }
0x57: {  	v63 =	vor.u32 v7, v15;
	[tilespmem:s12+$0xFFFFFF58] =	vst v31;
	v31 =	vld.idx.msk [tilespmem:v40+s3+$0x0], $0xffff  }
0x58: {  	v44 =	vor.u32 v11, v28;
	v40 =	vld.idx.msk [tilespmem:v53+s3+$0x0], $0xffff  }
0x59: {  	v45 =	vor.u32 v11, v29;
	v33 =	vld.idx.msk [tilespmem:v62+s3+$0x0], $0xffff;
	[tilespmem:s26+$0x60] =	vst v32  }
0x5a: {  	v46 =	vor.u32 v4, v19;
	v49 =	vld.idx.msk [tilespmem:v41+s3+$0x0], $0xffff;
	[tilespmem:s26+$0xFFFFFF98] =	vst v35  }
0x5b: {  	v47 =	vor.u32 v4, v18;
	v30 =	vld.idx.msk [tilespmem:v30+s3+$0x0], $0xffff;
	[tilespmem:s21+$0xA0] =	vst v34  }
0x5c: {  	v42 =	vor.u32 v1, v26;
	v36 =	vld.idx.msk [tilespmem:v63+s3+$0x0], $0xffff;
	[tilespmem:s21+$0xFFFFFFD8] =	vst v39  }
0x5d: {  	v48 =	vor.u32 v8, v23;
	v37 =	vld.idx.msk [tilespmem:v44+s3+$0x0], $0xffff;
	[tilespmem:s12+$0x30] =	vst v31  }
0x5e: {  	v50 =	vor.u32 v8, v15;
	v31 =	vld.idx.msk [tilespmem:v45+s3+$0x0], $0xffff;
	[tilespmem:s12+$0xFFFFFF68] =	vst v33  }
0x5f: {  	v51 =	vor.u32 v12, v28;
	v52 =	vld.idx.msk [tilespmem:v46+s3+$0x0], $0xffff;
	[tilespmem:s23+$0x0] =	vst v49  }
0x60: {  	v35 =	vld.idx.msk [tilespmem:v47+s3+$0x0], $0xffff;
	[tilespmem:s26+$0x70] =	vst v30;
	v30 =	vor.u32 v5, v19  }
0x61: {  	v54 =	vor.u32 v5, v18;
	[tilespmem:s23+$0xFFFFFF48] =	vst v40;
	v57 =	vld.idx.msk [tilespmem:v42+s3+$0x0], $0xffff  }
0x62: {  	s6 =	simm.s32 $0x8;
	v55 =	vmul.u32 $0xC8, v27;
	v59 =	vor.u32 v2, v26;
	[tilespmem:s26+$0xFFFFFFA8] =	vst v36;
	v34 =	vld.idx.msk [tilespmem:v48+s3+$0x0], $0xffff  }
0x63: {  	v28 =	vmov s6;
	v56 =	vor.u32 v9, v23;
	v41 =	vld.idx.msk [tilespmem:v50+s3+$0x0], $0xffff;
	[tilespmem:s21+$0xB0] =	vst v37  }
0x64: {  	v27 =	vand.u32 $0x7E, v28;
	v58 =	vor.u32 v9, v15;
	v37 =	vadd.s32 v13, v55;
	v32 =	vld.idx.msk [tilespmem:v51+s3+$0x0], $0xffff;
	[tilespmem:s12+$0x40] =	vst v52  }
0x65: {  	v43 =	vor.u32 v0, v27;
	[tilespmem:s12+$0xFFFFFF78] =	vst v35;
	v30 =	vld.idx.msk [tilespmem:v30+s3+$0x0], $0xffff  }
0x66: {  	v60 =	vor.u32 v2, v22;
	[tilespmem:s23+$0x10] =	vst v57;
	v36 =	vld.idx.msk [tilespmem:v54+s3+$0x0], $0xffff  }
0x67: {  	v61 =	vor.u32 v6, v19;
	[tilespmem:s26+$0x80] =	vst v34;
	v38 =	vld.idx.msk [tilespmem:v59+s3+$0x0], $0xffff  }
0x68: {  	v44 =	vor.u32 v6, v18;
	[tilespmem:s26+$0xFFFFFFB8] =	vst v41;
	v62 =	vld.idx.msk [tilespmem:v56+s3+$0x0], $0xffff  }
0x69: {  	v63 =	vor.u32 v10, v23;
	v45 =	vld.idx.msk [tilespmem:v58+s3+$0x0], $0xffff;
	[tilespmem:v37+s15+$0x0] =	vst.idx.msk $0xff, v32  }
0x6a: {  	v42 =	vor.u32 v10, v15;
	v32 =	vld.idx.msk [tilespmem:v43+s3+$0x0], $0xffff;
	[tilespmem:s12+$0x50] =	vst v30  }
0x6b: {  	v37 =	vld.idx.msk [tilespmem:v60+s3+$0x0], $0xffff;
	[tilespmem:s12+$0xFFFFFF88] =	vst v36;
	v36 =	vor.u32 v12, v29  }
0x6c: {  	v39 =	vor.u32 v3, v26;
	v35 =	vld.idx.msk [tilespmem:v61+s3+$0x0], $0xffff  }
0x6d: {  	v40 =	vor.u32 v3, v22;
	v33 =	vld.idx.msk [tilespmem:v44+s3+$0x0], $0xffff;
	[tilespmem:s26+$0x90] =	vst v62  }
0x6e: {  	s4 =	simm.s32 $0xA;
	s6 =	simm.s32 $0x9;
	s5 =	simm.s32 $0x64C8;
	v34 =	vor.u32 v7, v19;
	[tilespmem:s26+$0xFFFFFFC8] =	vst v45;
	v41 =	vld.idx.msk [tilespmem:v63+s3+$0x0], $0xffff  }
.LBB2_2:
0x6f: {  	p0 =	slt.u32 s4, $0x7E;
	v29 =	vmov s6;
	v30 =	vor.u32 v7, v18;
	v42 =	vld.idx.msk [tilespmem:v42+s3+$0x0], $0xffff;
	[tilespmem:s5+$0xFFFFFFE8] =	vst v31;
	v31 =	vmul.u32 $0xC8, v24;
	v24 =	vmovc v14;
	v14 =	vmovc v17;
	s5 =	smov.u32 s26;
	s26 =	smov.u32 s12  }
0x70: {  	v17 =	vmovc v20;
	v20 =	vmov v28;
	s12 =	smov.u32 s23;
	v43 =	vand.u32 $0x7F, v29;
	[tilespmem:s23+$0x20] =	vst v38;
	v38 =	vor.u32 v11, v23;
	v36 =	vld.idx.msk [tilespmem:v36+s3+$0x0], $0xffff  }
0x71: {  	v28 =	vor.u32 v0, v43;
	[tilespmem:s23+$0xFFFFFF58] =	vst v37;
	v37 =	vld.idx.msk [tilespmem:v39+s3+$0x0], $0xffff;
	v31 =	vadd.s32 v13, v31  }
0x72: {  	v39 =	vld.idx.msk [tilespmem:v40+s3+$0x0], $0xffff;
	[tilespmem:s26+$0x60] =	vst v35;
	v35 =	vor.u32 v11, v15  }
0x73: {  	v40 =	vor.u32 v4, v26;
	[tilespmem:s26+$0xFFFFFF98] =	vst v33;
	v33 =	vld.idx.msk [tilespmem:v34+s3+$0x0], $0xffff  }
0x74: {  	v34 =	vor.u32 v4, v22;
	v30 =	vld.idx.msk [tilespmem:v30+s3+$0x0], $0xffff;
	[tilespmem:s5+$0xA0] =	vst v41  }
0x75: {  	v41 =	vor.u32 v8, v19;
	[tilespmem:s5+$0xFFFFFFD8] =	vst v42;
	v38 =	vld.idx.msk [tilespmem:v38+s3+$0x0], $0xffff  }
0x76: {  	v42 =	vld.idx.msk [tilespmem:v28+s3+$0x0], $0xffff;
	v28 =	vor.u32 v8, v18;
	[tilespmem:v31+s15+$0x0] =	vst.idx.msk $0xff, v36  }
0x77: {  	[tilespmem:s23+$0x30] =	vst v37;
	v31 =	vld.idx.msk [tilespmem:v35+s3+$0x0], $0xffff;
	v35 =	vor.u32 v12, v23;
	v23 =	vmovc v19;
	v19 =	vmov v26;
	v26 =	vmov v43  }
0x78: {  	v36 =	vor.u32 v1, v26;
	[tilespmem:s23+$0xFFFFFF68] =	vst v39;
	v37 =	vld.idx.msk [tilespmem:v40+s3+$0x0], $0xffff  }
0x79: {  	v39 =	vor.u32 v1, v27;
	v34 =	vld.idx.msk [tilespmem:v34+s3+$0x0], $0xffff;
	[tilespmem:s26+$0x70] =	vst v33  }
0x7a: {  	v33 =	vor.u32 v5, v19;
	[tilespmem:s26+$0xFFFFFFA8] =	vst v30;
	v30 =	vld.idx.msk [tilespmem:v41+s3+$0x0], $0xffff  }
0x7b: {  	v40 =	vor.u32 v5, v22;
	s23 =	sadd.s32 $0x190, s23;
	v41 =	vld.idx.msk [tilespmem:v28+s3+$0x0], $0xffff;
	[tilespmem:s5+$0xB0] =	vst v38;
	v38 =	vmul.u32 $0xC8, v21;
	v21 =	vmovc v16;
	v16 =	vmov v25  }
0x7c: {  	v28 =	vmov s4;
	v25 =	vmov v29;
	[tilespmem:s23+$0x0] =	vst v42;
	v42 =	vor.u32 v9, v23;
	v35 =	vld.idx.msk [tilespmem:v35+s3+$0x0], $0xffff  }
0x7d: {  	v29 =	vand.u32 $0x7E, v28;
	[tilespmem:s23+$0xFFFFFF38] =	vst v32;
	v36 =	vld.idx.msk [tilespmem:v36+s3+$0x0], $0xffff;
	v32 =	vor.u32 v9, v18;
	v38 =	vadd.s32 v13, v38  }
0x7e: {  	v43 =	vor.u32 v0, v29;
	v39 =	vld.idx.msk [tilespmem:v39+s3+$0x0], $0xffff;
	[tilespmem:s12+$0x40] =	vst v37  }
0x7f: {  	v37 =	vor.u32 v2, v26;
	[tilespmem:s12+$0xFFFFFF78] =	vst v34;
	v33 =	vld.idx.msk [tilespmem:v33+s3+$0x0], $0xffff  }
0x80: {  	v34 =	vor.u32 v2, v27;
	v40 =	vld.idx.msk [tilespmem:v40+s3+$0x0], $0xffff;
	[tilespmem:s26+$0x80] =	vst v30  }
0x81: {  	v30 =	vor.u32 v6, v19;
	[tilespmem:s26+$0xFFFFFFB8] =	vst v41;
	v41 =	vld.idx.msk [tilespmem:v42+s3+$0x0], $0xffff  }
0x82: {  	v44 =	vor.u32 v6, v22;
	v45 =	vld.idx.msk [tilespmem:v32+s3+$0x0], $0xffff;
	[tilespmem:v38+s15+$0x0] =	vst.idx.msk $0xff, v35  }
0x83: {  	v32 =	vld.idx.msk [tilespmem:v43+s3+$0x0], $0xffff;
	[tilespmem:s23+$0x10] =	vst v36;
	v43 =	vor.u32 v10, v23  }
.Ltmp0:
0x84: {  	v42 =	vor.u32 v10, v18;
	[tilespmem:s23+$0xFFFFFF48] =	vst v39;
	v38 =	vld.idx.msk [tilespmem:v37+s3+$0x0], $0xffff;
	(pc) =	sbr.rel @p0 .LBB2_2-.Ltmp0, $4  }
0x85: {  	v36 =	vor.u32 v12, v15;
	v15 =	vmovc v18;
	v18 =	vmov v22;
	v22 =	vmov v27;
	v37 =	vld.idx.msk [tilespmem:v34+s3+$0x0], $0xffff;
	[tilespmem:s12+$0x50] =	vst v33  }
0x86: {  	v27 =	vmov v29;
	v39 =	vor.u32 v3, v26;
	[tilespmem:s12+$0xFFFFFF88] =	vst v40;
	v35 =	vld.idx.msk [tilespmem:v30+s3+$0x0], $0xffff  }
0x87: {  	v40 =	vor.u32 v3, v22;
	v33 =	vld.idx.msk [tilespmem:v44+s3+$0x0], $0xffff;
	[tilespmem:s26+$0x90] =	vst v41  }
0x88: {  	s6 =	sadd.s32 $0x1, s4;
	s4 =	sadd.s32 $0x2, s4;
	v34 =	vor.u32 v7, v19;
	[tilespmem:s26+$0xFFFFFFC8] =	vst v45;
	v41 =	vld.idx.msk [tilespmem:v43+s3+$0x0], $0xffff  }
0x89: {  	v29 =	vmov s6  }
0x8a: {  	v30 =	vand.u32 $0x7F, v29  }
0x8b: {  	v43 =	vor.u32 v0, v30;
	_ =	sdelay $0x4  }
0x8c: {  	v45 =	vor.u32 v1, v27;
	v43 =	vld.idx.msk [tilespmem:v43+s3+$0x0], $0xffff  }
0x8d: {  	v44 =	vor.u32 v1, v30;
	_ =	sdelay $0x1  }
0x8e: {  	s4 =	sadd.s32 $0x190, s23  }
0x8f: {  	[tilespmem:s4+$0xFFFFFF38] =	vst v32  }
0x90: {  	v58 =	vld.idx.msk [tilespmem:v45+s3+$0x0], $0xffff;
	[tilespmem:s4+$0x0] =	vst v43  }
0x91: {  	v60 =	vor.u32 v2, v27;
	v57 =	vld.idx.msk [tilespmem:v44+s3+$0x0], $0xffff  }
0x92: {  	v59 =	vor.u32 v2, v30;
	_ =	sdelay $0x2  }
0x93: {  	[tilespmem:s4+$0xFFFFFF48] =	vst v58  }
0x94: {  	v63 =	vld.idx.msk [tilespmem:v60+s3+$0x0], $0xffff;
	[tilespmem:s4+$0x10] =	vst v57  }
0x95: {  	[tilespmem:s5+$0xFFFFFFE8] =	vst v31;
	v49 =	vor.u32 v3, v27;
	v62 =	vld.idx.msk [tilespmem:v59+s3+$0x0], $0xffff  }
0x96: {  	[tilespmem:s23+$0x20] =	vst v38;
	v48 =	vor.u32 v3, v30  }
0x97: {  	v42 =	vld.idx.msk [tilespmem:v42+s3+$0x0], $0xffff;
	[tilespmem:s23+$0xFFFFFF58] =	vst v37  }
0x98: {  	v61 =	vor.u32 v11, v23;
	v40 =	vld.idx.msk [tilespmem:v40+s3+$0x0], $0xffff;
	[tilespmem:s12+$0x60] =	vst v35  }
0x99: {  	v53 =	vor.u32 v4, v22;
	v50 =	vld.idx.msk [tilespmem:v39+s3+$0x0], $0xffff;
	[tilespmem:s4+$0xFFFFFF58] =	vst v63  }
0x9a: {  	v52 =	vor.u32 v4, v26;
	v38 =	vld.idx.msk [tilespmem:v49+s3+$0x0], $0xffff;
	[tilespmem:s4+$0x20] =	vst v62  }
0x9b: {  	v56 =	vor.u32 v4, v27;
	v24 =	vmul.u32 $0xC8, v24;
	[tilespmem:s12+$0xFFFFFF98] =	vst v33;
	v43 =	vld.idx.msk [tilespmem:v48+s3+$0x0], $0xffff  }
0x9c: {  	v36 =	vld.idx.msk [tilespmem:v36+s3+$0x0], $0xffff;
	v54 =	vor.u32 v4, v30;
	[tilespmem:s26+$0xA0] =	vst v41  }
0x9d: {  	v24 =	vadd.s32 v13, v24;
	v32 =	vld.idx.msk [tilespmem:v61+s3+$0x0], $0xffff;
	[tilespmem:s23+$0xFFFFFF68] =	vst v40  }
0x9e: {  	v51 =	vor.u32 v11, v15;
	[tilespmem:s23+$0x30] =	vst v50;
	v31 =	vld.idx.msk [tilespmem:v53+s3+$0x0], $0xffff  }
0x9f: {  	v57 =	vld.idx.msk [tilespmem:v52+s3+$0x0], $0xffff;
	v59 =	vor.u32 v5, v22;
	[tilespmem:s4+$0xFFFFFF68] =	vst v38  }
0xa0: {  	v58 =	vor.u32 v5, v26;
	v61 =	vld.idx.msk [tilespmem:v56+s3+$0x0], $0xffff;
	[tilespmem:s4+$0x30] =	vst v43  }
0xa1: {  	[tilespmem:s26+$0xFFFFFFD8] =	vst v42;
	v63 =	vor.u32 v5, v27;
	v60 =	vld.idx.msk [tilespmem:v54+s3+$0x0], $0xffff  }
0xa2: {  	v34 =	vld.idx.msk [tilespmem:v34+s3+$0x0], $0xffff;
	[tilespmem:v24+s15+$0x0] =	vst.idx.msk $0xff, v36;
	v62 =	vor.u32 v5, v30  }
0xa3: {  	v55 =	vld.idx.msk [tilespmem:v51+s3+$0x0], $0xffff;
	[tilespmem:s23+$0xFFFFFF78] =	vst v31  }
0xa4: {  	v44 =	vor.u32 v7, v18;
	[tilespmem:s23+$0x40] =	vst v57;
	v46 =	vld.idx.msk [tilespmem:v59+s3+$0x0], $0xffff  }
0xa5: {  	v45 =	vld.idx.msk [tilespmem:v58+s3+$0x0], $0xffff;
	v48 =	vor.u32 v6, v22;
	[tilespmem:s4+$0xFFFFFF78] =	vst v61  }
0xa6: {  	v47 =	vor.u32 v6, v26;
	v50 =	vld.idx.msk [tilespmem:v63+s3+$0x0], $0xffff;
	[tilespmem:s4+$0x40] =	vst v60  }
0xa7: {  	[tilespmem:s12+$0x70] =	vst v34;
	v52 =	vor.u32 v6, v27;
	v49 =	vld.idx.msk [tilespmem:v62+s3+$0x0], $0xffff  }
0xa8: {  	v51 =	vor.u32 v6, v30;
	[tilespmem:s26+$0xFFFFFFE8] =	vst v55  }
0xa9: {  	v15 =	vor.u32 v12, v15;
	v53 =	vld.idx.msk [tilespmem:v44+s3+$0x0], $0xffff;
	[tilespmem:s23+$0xFFFFFF88] =	vst v46  }
0xaa: {  	v55 =	vor.u32 v8, v18;
	[tilespmem:s23+$0x50] =	vst v45;
	v38 =	vld.idx.msk [tilespmem:v48+s3+$0x0], $0xffff  }
0xab: {  	v58 =	vor.u32 v7, v22;
	v56 =	vld.idx.msk [tilespmem:v47+s3+$0x0], $0xffff;
	[tilespmem:s4+$0xFFFFFF88] =	vst v50  }
0xac: {  	v14 =	vmul.u32 $0xC8, v14;
	v57 =	vor.u32 v7, v26;
	v24 =	vld.idx.msk [tilespmem:v52+s3+$0x0], $0xffff;
	[tilespmem:s4+$0x50] =	vst v49  }
0xad: {  	[tilespmem:s26+$0xB0] =	vst v32;
	v62 =	vor.u32 v7, v27;
	v59 =	vld.idx.msk [tilespmem:v51+s3+$0x0], $0xffff  }
0xae: {  	v14 =	vadd.s32 v13, v14;
	v15 =	vld.idx.msk [tilespmem:v15+s3+$0x0], $0xffff;
	[tilespmem:s12+$0xFFFFFFA8] =	vst v53;
	v60 =	vor.u32 v7, v30  }
0xaf: {  	v31 =	vld.idx.msk [tilespmem:v55+s3+$0x0], $0xffff;
	v54 =	vor.u32 v8, v19;
	[tilespmem:s23+$0xFFFFFF98] =	vst v38  }
0xb0: {  	v63 =	vor.u32 v12, v23;
	[tilespmem:s23+$0x60] =	vst v56;
	v37 =	vld.idx.msk [tilespmem:v58+s3+$0x0], $0xffff  }
0xb1: {  	v45 =	vor.u32 v8, v22;
	v43 =	vld.idx.msk [tilespmem:v57+s3+$0x0], $0xffff;
	[tilespmem:s4+$0xFFFFFF98] =	vst v24  }
0xb2: {  	v44 =	vor.u32 v8, v26;
	v47 =	vld.idx.msk [tilespmem:v62+s3+$0x0], $0xffff;
	[tilespmem:s4+$0x60] =	vst v59  }
0xb3: {  	v21 =	vmul.u32 $0xC8, v21;
	[tilespmem:v14+s15+$0x0] =	vst.idx.msk $0xff, v15;
	v49 =	vor.u32 v8, v27;
	v46 =	vld.idx.msk [tilespmem:v60+s3+$0x0], $0xffff  }
0xb4: {  	[tilespmem:s12+$0xFFFFFFB8] =	vst v31;
	v48 =	vor.u32 v8, v30;
	v61 =	vld.idx.msk [tilespmem:v54+s3+$0x0], $0xffff  }
0xb5: {  	v21 =	vadd.s32 v13, v21;
	v42 =	vor.u32 v9, v19;
	v23 =	vld.idx.msk [tilespmem:v63+s3+$0x0], $0xffff;
	[tilespmem:s23+$0xFFFFFFA8] =	vst v37  }
0xb6: {  	v50 =	vor.u32 v9, v18;
	[tilespmem:s23+$0x70] =	vst v43;
	v33 =	vld.idx.msk [tilespmem:v45+s3+$0x0], $0xffff  }
0xb7: {  	v54 =	vor.u32 v9, v22;
	v52 =	vld.idx.msk [tilespmem:v44+s3+$0x0], $0xffff;
	[tilespmem:s4+$0xFFFFFFA8] =	vst v47  }
0xb8: {  	v53 =	vor.u32 v9, v26;
	v56 =	vld.idx.msk [tilespmem:v49+s3+$0x0], $0xffff;
	[tilespmem:s4+$0x70] =	vst v46  }
0xb9: {  	[tilespmem:s12+$0x80] =	vst v61;
	v59 =	vor.u32 v9, v27;
	v55 =	vld.idx.msk [tilespmem:v48+s3+$0x0], $0xffff  }
0xba: {  	v57 =	vor.u32 v9, v30;
	[tilespmem:v21+s15+$0x0] =	vst.idx.msk $0xff, v23;
	v32 =	vld.idx.msk [tilespmem:v42+s3+$0x0], $0xffff  }
0xbb: {  	v58 =	vld.idx.msk [tilespmem:v50+s3+$0x0], $0xffff;
	v51 =	vor.u32 v10, v19;
	[tilespmem:s23+$0xFFFFFFB8] =	vst v33  }
0xbc: {  	[tilespmem:s23+$0x80] =	vst v52;
	v24 =	vld.idx.msk [tilespmem:v54+s3+$0x0], $0xffff;
	v60 =	vor.u32 v10, v18  }
0xbd: {  	v40 =	vor.u32 v10, v22;
	v62 =	vld.idx.msk [tilespmem:v53+s3+$0x0], $0xffff;
	[tilespmem:s4+$0xFFFFFFB8] =	vst v56  }
0xbe: {  	v63 =	vor.u32 v10, v26;
	v42 =	vld.idx.msk [tilespmem:v59+s3+$0x0], $0xffff;
	[tilespmem:s4+$0x80] =	vst v55  }
0xbf: {  	v45 =	vor.u32 v10, v27;
	[tilespmem:s12+$0x90] =	vst v32;
	v41 =	vld.idx.msk [tilespmem:v57+s3+$0x0], $0xffff  }
0xc0: {  	v43 =	vor.u32 v10, v30;
	[tilespmem:s12+$0xFFFFFFC8] =	vst v58;
	v61 =	vld.idx.msk [tilespmem:v51+s3+$0x0], $0xffff  }
0xc1: {  	[tilespmem:s23+$0xFFFFFFC8] =	vst v24;
	v44 =	vld.idx.msk [tilespmem:v60+s3+$0x0], $0xffff;
	v46 =	vor.u32 v11, v19  }
0xc2: {  	v47 =	vor.u32 v11, v18;
	[tilespmem:s23+$0x90] =	vst v62;
	v34 =	vld.idx.msk [tilespmem:v40+s3+$0x0], $0xffff  }
0xc3: {  	v50 =	vor.u32 v11, v22;
	v48 =	vld.idx.msk [tilespmem:v63+s3+$0x0], $0xffff;
	[tilespmem:s4+$0xFFFFFFC8] =	vst v42  }
0xc4: {  	v49 =	vor.u32 v11, v26;
	v52 =	vld.idx.msk [tilespmem:v45+s3+$0x0], $0xffff;
	[tilespmem:s4+$0x90] =	vst v41  }
0xc5: {  	v14 =	vor.u32 v11, v27;
	[tilespmem:s12+$0xA0] =	vst v61;
	v51 =	vld.idx.msk [tilespmem:v43+s3+$0x0], $0xffff  }
0xc6: {  	v53 =	vor.u32 v11, v30;
	[tilespmem:s12+$0xFFFFFFD8] =	vst v44;
	v54 =	vld.idx.msk [tilespmem:v46+s3+$0x0], $0xffff  }
0xc7: {  	[tilespmem:s23+$0xFFFFFFD8] =	vst v34;
	v15 =	vld.idx.msk [tilespmem:v47+s3+$0x0], $0xffff;
	v55 =	vor.u32 v12, v19  }
0xc8: {  	v56 =	vor.u32 v12, v18;
	[tilespmem:s23+$0xA0] =	vst v48;
	v21 =	vld.idx.msk [tilespmem:v50+s3+$0x0], $0xffff  }
0xc9: {  	v58 =	vor.u32 v12, v22;
	v24 =	vld.idx.msk [tilespmem:v49+s3+$0x0], $0xffff;
	[tilespmem:s4+$0xFFFFFFD8] =	vst v52  }
0xca: {  	v16 =	vmul.u32 $0xC8, v16;
	v57 =	vor.u32 v12, v26;
	v14 =	vld.idx.msk [tilespmem:v14+s3+$0x0], $0xffff;
	[tilespmem:s4+$0xA0] =	vst v51  }
0xcb: {  	v17 =	vmul.u32 $0xC8, v17;
	v59 =	vor.u32 v12, v27;
	[tilespmem:s12+$0xB0] =	vst v54;
	v23 =	vld.idx.msk [tilespmem:v53+s3+$0x0], $0xffff  }
0xcc: {  	v20 =	vmul.u32 $0xC8, v20;
	v16 =	vadd.s32 v13, v16;
	v30 =	vor.u32 v12, v30;
	v19 =	vld.idx.msk [tilespmem:v55+s3+$0x0], $0xffff;
	[tilespmem:s12+$0xFFFFFFE8] =	vst v15  }
0xcd: {  	v17 =	vadd.s32 v13, v17;
	v15 =	vmul.u32 $0xC8, v25;
	[tilespmem:s23+$0xFFFFFFE8] =	vst v21;
	v18 =	vld.idx.msk [tilespmem:v56+s3+$0x0], $0xffff  }
0xce: {  	v20 =	vadd.s32 v13, v20;
	v61 =	vmul.u32 $0xC8, v28;
	[tilespmem:s23+$0xB0] =	vst v24;
	v22 =	vld.idx.msk [tilespmem:v58+s3+$0x0], $0xffff  }
0xcf: {  	v60 =	vmul.u32 $0xC8, v29;
	v24 =	vld.idx.msk [tilespmem:v57+s3+$0x0], $0xffff;
	v15 =	vadd.s32 v13, v15;
	[tilespmem:s4+$0xFFFFFFE8] =	vst v14  }
0xd0: {  	v63 =	vadd.s32 v13, v61;
	v14 =	vld.idx.msk [tilespmem:v59+s3+$0x0], $0xffff;
	[tilespmem:s4+$0xB0] =	vst v23  }
0xd1: {  	v21 =	vadd.s32 v13, v60;
	[tilespmem:v16+s15+$0x0] =	vst.idx.msk $0xff, v19;
	v62 =	vld.idx.msk [tilespmem:v30+s3+$0x0], $0xffff  }
0xd2: {  	[tilespmem:v17+s15+$0x0] =	vst.idx.msk $0xff, v18  }
0xd3: {  	[tilespmem:v20+s15+$0x0] =	vst.idx.msk $0xff, v22  }
0xd4: {  	[tilespmem:v15+s15+$0x0] =	vst.idx.msk $0xff, v24  }
0xd5: {  	[tilespmem:v63+s15+$0x0] =	vst.idx.msk $0xff, v14  }
0xd6: {  	[tilespmem:v21+s15+$0x0] =	vst.idx.msk $0xff, v62  }
0xd7: {  	[tilespmem:s17], [sflag:$0x1] =	stream.indirect.gather [hbm4b:s2+s16], $0x80, s15, s16, $0xb8;
	[tilespmem:$0x1F400] =	vst v63  }
0xd8: {  	s26 =	simm.s32 $0x6468  }
0xd9: {  	[tilespmem:s20], [sflag:$0x1] =	stream.indirect.gather [hbm4b:s2+s18], $0x80, s26, s18, $0xb8;
	[tilespmem:$0x1F400] =	vst v63  }
0xda: {  	_ = 	snop  }
0xdb: {  	[tilespmem:s22], [sflag:$0x2] =	stream.indirect.gather [hbm4b:s2+s16], $0x80, s21, s16, $0xb8;
	[tilespmem:$0x1F400] =	vst v63  }
0xdc: {  	s5 =	simm.s32 $0x6530  }
0xdd: {  	[tilespmem:s24], [sflag:$0x2] =	stream.indirect.gather [hbm4b:s2+s18], $0x80, s5, s18, $0xb8;
	[tilespmem:$0x1F400] =	vst v63  }
0xde: {  	_ =	swait.ge [sflag:s25], $0x3400  }
0xdf: {  	[sflag:s25] =	ssyncset.done $0x0  }
0xe0: {  	[sflag:s25] =	ssyncadd.s32 $0xFFFFCC00  }
0xe1: {  	_ =	swait.ge [sflag:s25], $0x3000  }
0xe2: {  	[sflag:s25] =	ssyncset.done $0x0  }
0xe3: {  	s4 =	simm.s32 $0x0;
	[sflag:s25] =	ssyncadd.s32 $0xFFFFD000  }
0xe4: {  	[hbm4b:s8+s4] =	stream.linear.scatter [tilespmem:s17], [sflag:$0x4], $0x6400, $0x38;
	[tilespmem:$0x1F400] =	vst v63  }
0xe5: {  	s6 =	simm.s32 $0x6590  }
0xe6: {  	[tilespmem:s28], [sflag:$0x3] =	stream.indirect.gather [hbm4b:s2+s16], $0x80, s6, s16, $0xb8;
	[tilespmem:$0x1F400] =	vst v63  }
0xe7: {  	s12 =	simm.s32 $0x65F8  }
0xe8: {  	[tilespmem:s30], [sflag:$0x3] =	stream.indirect.gather [hbm4b:s2+s18], $0x80, s12, s18, $0xb8;
	[tilespmem:$0x1F400] =	vst v63  }
0xe9: {  	_ =	swait.ge [sflag:s31], $0x3400  }
0xea: {  	[sflag:s31] =	ssyncset.done $0x0  }
0xeb: {  	[sflag:s31] =	ssyncadd.s32 $0xFFFFCC00  }
0xec: {  	_ =	swait.ge [sflag:s31], $0x3000  }
0xed: {  	[sflag:s31] =	ssyncset.done $0x0  }
0xee: {  	[sflag:s31] =	ssyncadd.s32 $0xFFFFD000  }
0xef: {  	[hbm4b:s9+s4] =	stream.linear.scatter [tilespmem:s22], [sflag:$0x5], $0x6400, $0x38;
	[tilespmem:$0x1F400] =	vst v63  }
0xf0: {  	_ =	swait.ge [sflag:s1], $0x6400  }
0xf1: {  	[sflag:s1] =	ssyncset.done $0x0  }
0xf2: {  	s23 =	simm.s32 $0x6658;
	[sflag:s1] =	ssyncadd.s32 $0xFFFF9C00  }
0xf3: {  	[tilespmem:s17], [sflag:$0x1] =	stream.indirect.gather [hbm4b:s2+s16], $0x80, s23, s16, $0xb8;
	[tilespmem:$0x1F400] =	vst v63  }
0xf4: {  	s26 =	simm.s32 $0x66C0  }
0xf5: {  	[tilespmem:s20], [sflag:$0x1] =	stream.indirect.gather [hbm4b:s2+s18], $0x80, s26, s18, $0xb8;
	[tilespmem:$0x1F400] =	vst v63  }
0xf6: {  	_ =	swait.ge [sflag:s13], $0x3400  }
0xf7: {  	[sflag:s13] =	ssyncset.done $0x0  }
0xf8: {  	[sflag:s13] =	ssyncadd.s32 $0xFFFFCC00  }
0xf9: {  	_ =	swait.ge [sflag:s13], $0x3000  }
0xfa: {  	[sflag:s13] =	ssyncset.done $0x0  }
0xfb: {  	[sflag:s13] =	ssyncadd.s32 $0xFFFFD000  }
0xfc: {  	[hbm4b:s10+s4] =	stream.linear.scatter [tilespmem:s28], [sflag:$0x6], $0x6400, $0x38;
	[tilespmem:$0x1F400] =	vst v63  }
0xfd: {  	_ =	swait.ge [sflag:s19], $0x6400  }
0xfe: {  	[sflag:s19] =	ssyncset.done $0x0  }
0xff: {  	s6 =	simm.s32 $0x6720;
	[sflag:s19] =	ssyncadd.s32 $0xFFFF9C00  }
0x100: {  	[tilespmem:s22], [sflag:$0x2] =	stream.indirect.gather [hbm4b:s2+s16], $0x80, s6, s16, $0xb8;
	[tilespmem:$0x1F400] =	vst v63  }
0x101: {  	s12 =	simm.s32 $0x6788  }
0x102: {  	[tilespmem:s24], [sflag:$0x2] =	stream.indirect.gather [hbm4b:s2+s18], $0x80, s12, s18, $0xb8;
	[tilespmem:$0x1F400] =	vst v63  }
0x103: {  	_ =	swait.ge [sflag:s25], $0x3400  }
0x104: {  	[sflag:s25] =	ssyncset.done $0x0  }
0x105: {  	[sflag:s25] =	ssyncadd.s32 $0xFFFFCC00  }
0x106: {  	_ =	swait.ge [sflag:s25], $0x3000  }
0x107: {  	[sflag:s25] =	ssyncset.done $0x0  }
0x108: {  	[sflag:s25] =	ssyncadd.s32 $0xFFFFD000  }
0x109: {  	[hbm4b:s11+s3] =	stream.linear.scatter [tilespmem:s17], [sflag:$0x4], $0x6400, $0x38;
	[tilespmem:$0x1F400] =	vst v63  }
0x10a: {  	_ =	swait.ge [sflag:s29], $0x6400  }
0x10b: {  	[sflag:s29] =	ssyncset.done $0x0  }
0x10c: {  	s23 =	simm.s32 $0x67E8;
	[sflag:s29] =	ssyncadd.s32 $0xFFFF9C00  }
0x10d: {  	[tilespmem:s28], [sflag:$0x3] =	stream.indirect.gather [hbm4b:s2+s16], $0x80, s23, s16, $0xb8;
	[tilespmem:$0x1F400] =	vst v63  }
0x10e: {  	s26 =	simm.s32 $0x6850  }
0x10f: {  	[tilespmem:s30], [sflag:$0x3] =	stream.indirect.gather [hbm4b:s2+s18], $0x80, s26, s18, $0xb8;
	[tilespmem:$0x1F400] =	vst v63  }
0x110: {  	_ =	swait.ge [sflag:s31], $0x3400  }
0x111: {  	[sflag:s31] =	ssyncset.done $0x0  }
0x112: {  	[sflag:s31] =	ssyncadd.s32 $0xFFFFCC00  }
0x113: {  	_ =	swait.ge [sflag:s31], $0x3000  }
0x114: {  	[sflag:s31] =	ssyncset.done $0x0  }
0x115: {  	s5 =	sadd.s32 $0xC80, s11;
	[sflag:s31] =	ssyncadd.s32 $0xFFFFD000  }
0x116: {  	[hbm4b:s5+s3] =	stream.linear.scatter [tilespmem:s22], [sflag:$0x5], $0x6400, $0x38;
	[tilespmem:$0x1F400] =	vst v63  }
0x117: {  	_ =	swait.ge [sflag:s1], $0x6400  }
0x118: {  	[sflag:s1] =	ssyncset.done $0x0  }
0x119: {  	s6 =	simm.s32 $0x68B0;
	[sflag:s1] =	ssyncadd.s32 $0xFFFF9C00  }
0x11a: {  	[tilespmem:s17], [sflag:$0x1] =	stream.indirect.gather [hbm4b:s2+s16], $0x80, s6, s16, $0xb8;
	[tilespmem:$0x1F400] =	vst v63  }
0x11b: {  	s12 =	simm.s32 $0x6918  }
0x11c: {  	[tilespmem:s20], [sflag:$0x1] =	stream.indirect.gather [hbm4b:s2+s18], $0x80, s12, s18, $0xb8;
	[tilespmem:$0x1F400] =	vst v63  }
0x11d: {  	_ =	swait.ge [sflag:s13], $0x3400  }
0x11e: {  	[sflag:s13] =	ssyncset.done $0x0  }
0x11f: {  	[sflag:s13] =	ssyncadd.s32 $0xFFFFCC00  }
0x120: {  	_ =	swait.ge [sflag:s13], $0x3000  }
0x121: {  	[sflag:s13] =	ssyncset.done $0x0  }
0x122: {  	s23 =	sadd.s32 $0x1900, s11;
	[sflag:s13] =	ssyncadd.s32 $0xFFFFD000  }
0x123: {  	[hbm4b:s23+s3] =	stream.linear.scatter [tilespmem:s28], [sflag:$0x6], $0x6400, $0x38;
	[tilespmem:$0x1F400] =	vst v63  }
0x124: {  	_ =	swait.ge [sflag:s19], $0x6400  }
0x125: {  	s4 =	simm.s32 $0x960;
	s26 =	simm.s32 $0x6978;
	[sflag:s19] =	ssyncset.done $0x0  }
0x126: {  	s5 =	sadd.s32 $0x2580, s11;
	s6 =	simm.s32 $0x69E0;
	[sflag:s19] =	ssyncadd.s32 $0xFFFF9C00  }
0x127: {  	[tilespmem:s22], [sflag:$0x2] =	stream.indirect.gather [hbm4b:s2+s16], $0x80, s26, s16, $0xb8;
	[tilespmem:$0x1F400] =	vst v63  }
.LBB2_4:
0x128: {  	[tilespmem:s24], [sflag:$0x2] =	stream.indirect.gather [hbm4b:s2+s18], $0x80, s6, s18, $0xb8;
	[tilespmem:$0x1F400] =	vst v63  }
0x129: {  	s6 =	smov.u32 s4  }
0x12a: {  	p0 =	sne.s32 s4, $0x17700;
	s4 =	sadd.s32 $0x960, s4;
	_ =	swait.ge [sflag:s25], $0x3400  }
0x12b: {  	[sflag:s25] =	ssyncset.done $0x0  }
0x12c: {  	[sflag:s25] =	ssyncadd.s32 $0xFFFFCC00  }
0x12d: {  	_ =	swait.ge [sflag:s25], $0x3000  }
0x12e: {  	[sflag:s25] =	ssyncset.done $0x0  }
0x12f: {  	[sflag:s25] =	ssyncadd.s32 $0xFFFFD000  }
0x130: {  	[hbm4b:s5+s3] =	stream.linear.scatter [tilespmem:s17], [sflag:$0x4], $0x6400, $0x38;
	[tilespmem:$0x1F400] =	vst v63  }
0x131: {  	_ =	swait.ge [sflag:s29], $0x6400  }
0x132: {  	s12 =	sshra.s32 s6, $0x2;
	[sflag:s29] =	ssyncset.done $0x0  }
0x133: {  	s6 =	sadd.s32 $0x67E8, s12;
	[sflag:s29] =	ssyncadd.s32 $0xFFFF9C00  }
0x134: {  	[tilespmem:s28], [sflag:$0x3] =	stream.indirect.gather [hbm4b:s2+s16], $0x80, s6, s16, $0xb8;
	[tilespmem:$0x1F400] =	vst v63  }
0x135: {  	s6 =	sadd.s32 $0x6850, s12  }
0x136: {  	[tilespmem:s30], [sflag:$0x3] =	stream.indirect.gather [hbm4b:s2+s18], $0x80, s6, s18, $0xb8;
	[tilespmem:$0x1F400] =	vst v63  }
0x137: {  	_ =	swait.ge [sflag:s31], $0x3400  }
0x138: {  	[sflag:s31] =	ssyncset.done $0x0  }
0x139: {  	[sflag:s31] =	ssyncadd.s32 $0xFFFFCC00  }
0x13a: {  	_ =	swait.ge [sflag:s31], $0x3000  }
0x13b: {  	[sflag:s31] =	ssyncset.done $0x0  }
0x13c: {  	s6 =	sadd.s32 $0xC80, s5;
	[sflag:s31] =	ssyncadd.s32 $0xFFFFD000  }
0x13d: {  	[hbm4b:s6+s3] =	stream.linear.scatter [tilespmem:s22], [sflag:$0x5], $0x6400, $0x38;
	[tilespmem:$0x1F400] =	vst v63  }
0x13e: {  	_ =	swait.ge [sflag:s1], $0x6400  }
0x13f: {  	[sflag:s1] =	ssyncset.done $0x0  }
0x140: {  	s6 =	sadd.s32 $0x68B0, s12;
	[sflag:s1] =	ssyncadd.s32 $0xFFFF9C00  }
0x141: {  	[tilespmem:s17], [sflag:$0x1] =	stream.indirect.gather [hbm4b:s2+s16], $0x80, s6, s16, $0xb8;
	[tilespmem:$0x1F400] =	vst v63  }
0x142: {  	s6 =	sadd.s32 $0x6918, s12  }
0x143: {  	[tilespmem:s20], [sflag:$0x1] =	stream.indirect.gather [hbm4b:s2+s18], $0x80, s6, s18, $0xb8;
	[tilespmem:$0x1F400] =	vst v63  }
0x144: {  	_ =	swait.ge [sflag:s13], $0x3400  }
0x145: {  	[sflag:s13] =	ssyncset.done $0x0  }
0x146: {  	[sflag:s13] =	ssyncadd.s32 $0xFFFFCC00  }
0x147: {  	_ =	swait.ge [sflag:s13], $0x3000  }
0x148: {  	[sflag:s13] =	ssyncset.done $0x0  }
0x149: {  	s6 =	sadd.s32 $0x1900, s5;
	[sflag:s13] =	ssyncadd.s32 $0xFFFFD000  }
0x14a: {  	[hbm4b:s6+s3] =	stream.linear.scatter [tilespmem:s28], [sflag:$0x6], $0x6400, $0x38;
	[tilespmem:$0x1F400] =	vst v63  }
.Ltmp1:
0x14b: {  	_ =	swait.ge [sflag:s19], $0x6400;
	(pc) =	sbr.rel @p0 .LBB2_4-.Ltmp1, $4  }
0x14c: {  	[sflag:s19] =	ssyncset.done $0x0  }
0x14d: {  	s6 =	sadd.s32 $0x6978, s12;
	[sflag:s19] =	ssyncadd.s32 $0xFFFF9C00  }
0x14e: {  	[tilespmem:s22], [sflag:$0x2] =	stream.indirect.gather [hbm4b:s2+s16], $0x80, s6, s16, $0xb8;
	[tilespmem:$0x1F400] =	vst v63  }
0x14f: {  	s5 =	sadd.s32 $0x2580, s5;
	s6 =	sadd.s32 $0x69E0, s12  }
0x150: {  	[tilespmem:s24], [sflag:$0x2] =	stream.indirect.gather [hbm4b:s2+s18], $0x80, s6, s18, $0xb8;
	[tilespmem:$0x1F400] =	vst v63  }
0x151: {  	_ =	swait.ge [sflag:s25], $0x3400  }
0x152: {  	[sflag:s25] =	ssyncset.done $0x0  }
0x153: {  	[sflag:s25] =	ssyncadd.s32 $0xFFFFCC00  }
0x154: {  	_ =	swait.ge [sflag:s25], $0x3000  }
0x155: {  	[sflag:s25] =	ssyncset.done $0x0  }
0x156: {  	s4 =	rddreg [dreg:$0x5];
	[sflag:s25] =	ssyncadd.s32 $0xFFFFD000  }
0x157: {  	[hbm4b:s4+s3] =	stream.linear.scatter [tilespmem:s17], [sflag:$0x4], $0x6400, $0x38;
	[tilespmem:$0x1F400] =	vst v63  }
0x158: {  	_ =	swait.ge [sflag:s31], $0x3400  }
0x159: {  	[sflag:s31] =	ssyncset.done $0x0  }
0x15a: {  	[sflag:s31] =	ssyncadd.s32 $0xFFFFCC00  }
0x15b: {  	_ =	swait.ge [sflag:s31], $0x3000  }
0x15c: {  	[sflag:s31] =	ssyncset.done $0x0  }
0x15d: {  	s26 =	rddreg [dreg:$0x6];
	[sflag:s31] =	ssyncadd.s32 $0xFFFFD000  }
0x15e: {  	[hbm4b:s26+s3] =	stream.linear.scatter [tilespmem:s22], [sflag:$0x5], $0x6400, $0x38;
	[tilespmem:$0x1F400] =	vst v63  }
0x15f: {  	_ =	swait.ge [sflag:s29], $0x6400  }
0x160: {  	[sflag:s29] =	ssyncset.done $0x0  }
0x161: {  	s0 =	sadd.s32 $0x1, s0;
	[sflag:s29] =	ssyncadd.s32 $0xFFFF9C00  }
0x162: {  	p0 =	sne.s32 s0, s7;
	_ =	swait.ge [sflag:s1], $0x6400  }
.Ltmp2:
0x163: {  	[sflag:s1] =	ssyncset.done $0x0;
	(pc) =	sbr.rel @p0 .LBB2_1-.Ltmp2, $4  }
0x164: {  	[sflag:s1] =	ssyncadd.s32 $0xFFFF9C00  }
0x165: {  	_ =	swait.ge [sflag:s19], $0x6400  }
0x166: {  	[sflag:s19] =	ssyncset.done $0x0  }
0x167: {  	[sflag:s19] =	ssyncadd.s32 $0xFFFF9C00  }
0x168: {  	_ =	sfence.sel $0x180000  }
0x169: {  	[bflag:$0x0] =	sbarrier.arrive $0xFFFF  }
0x16a: {  	_ =	strace $0x90000047  }
0x16b: {  	s0 =	stileid.u32;
	[bflag:$0x2] =	sbarrier.arrive $0xFFFF  }
0x16c: {  	p0 =	sne.s32 s0, $0x0;
	s0 =	rddreg [dreg:$0x3]  }
0x16d: {  	s0 =	sadd.s32 @!p0 $0x100000, s0  }
0x16e: {  	[sflag:s0] =	ssyncadd.tile.s32 @!p0 $0x1;
	_ =	shalt  }
.Lfunc_end2:
_tile_overlayer_lowered:
.L_overlay_start_2:
0x16f: {  	(tag) =	ssettag $0x2  }
0x170: {  	s0 =	rddreg [dreg:$0x0];
	s2 =	stileid.u32  }
0x171: {  	s1 =	rddreg [dreg:$0x1];
	p0 =	sne.s32 s2, $0x0  }
0x172: {  	s3 =	rddreg [dreg:$0x2];
	[bflag:$0x3] =	sbarrier.arrive $0xFFFF;
	s2 =	simm.s32 @!p0 $0x1C07  }
0x173: {  	[timem:s3], [sflag:s2] =	dma.local @!p0 [hbm:s0], s1  }
0x174: {  	s0 =	simm.s32 @!p0 $0x7  }
0x175: {  	_ =	swait.ge @!p0 [sflag:s0], s1  }
0x176: {  	s1 =	ssub.s32 @!p0 $0x0, s1;
	[sflag:s0] =	ssyncset.done @!p0 $0x0  }
0x177: {  	[sflag:s0] =	ssyncadd.s32 @!p0 s1  }
0x178: {  	[bflag:$0x3] =	sbarrier.arrive $0xFFFF  }
0x179: {  	_ =	shalt  }

</sc_bundles>
